<compile_context>
chip_gen: v7x
topology: tpu7x:2x2x1
jax: 0.10.2.dev20260603
libtpu: 0.0.44.dev20260713+nightly
codegen_flags: <defaults>
</compile_context>

<pallas_src>
import functools

import jax
import jax.numpy as jnp
from jax import lax
from jax.experimental import pallas as pl
from jax.experimental.pallas import tpu as pltpu
from jax.experimental.pallas import tpu_sc as plsc

N = 10000
E = 320000
D_IN = 128

NC = 2
NS = 16
NW = NC * NS

G = 128
K = (E + NW * G - 1) // (NW * G)
E_PAD = NW * K * G
N_PAD = 10240
RPT = N_PAD // NS

BR = 1024


def _sc_mesh():
    return plsc.VectorSubcoreMesh(core_axis_name="c", subcore_axis_name="s")


def _make_sc_hist():

    @functools.partial(
        pl.kernel,
        out_type=jax.ShapeDtypeStruct((NC, N_PAD, 16), jnp.float32),
        mesh=_sc_mesh(),
        compiler_params=pltpu.CompilerParams(use_tc_tiling_on_sc=False),
        scratch_types=[
            pltpu.VMEM((K, G), jnp.int32),
            pltpu.VMEM((G, 16), jnp.float32),
            pltpu.VMEM((G, 16), jnp.float32),
            pltpu.VMEM_SHARED((G, 16), jnp.float32),
            pltpu.VMEM_SHARED((N_PAD, 16), jnp.float32),
        ],
    )
    def hist(dst_hbm, ones_hbm, zeros_hbm, out_hbm, dst_v, ones_v, zeros_v,
             ones_sh, acc_sh):
        c = lax.axis_index("c")
        s = lax.axis_index("s")
        w = s * NC + c
        pltpu.sync_copy(zeros_hbm, zeros_v)
        pltpu.sync_copy(ones_hbm, ones_v)

        @pl.when(s == 0)
        def _():
            pltpu.sync_copy(ones_v, ones_sh)

        pltpu.sync_copy(dst_hbm.at[w], dst_v)

        @pl.loop(0, RPT // G)
        def _(t):
            pltpu.sync_copy(zeros_v, acc_sh.at[pl.ds(s * RPT + t * G, G)])

        plsc.subcore_barrier()

        @pl.loop(0, K)
        def _(j):
            pltpu.sync_copy(ones_sh, ones_v)
            pltpu.sync_copy(ones_v, acc_sh.at[dst_v.at[j]], add=True)

        plsc.subcore_barrier()
        pltpu.sync_copy(acc_sh.at[pl.ds(s * RPT, RPT)],
                        out_hbm.at[c, pl.ds(s * RPT, RPT)])

    return hist


def _make_sc_agg(F):

    @functools.partial(
        pl.kernel,
        out_type=jax.ShapeDtypeStruct((NC, N_PAD, F), jnp.float32),
        mesh=_sc_mesh(),
        compiler_params=pltpu.CompilerParams(use_tc_tiling_on_sc=False),
        scratch_types=[
            pltpu.VMEM((K, G), jnp.int32),
            pltpu.VMEM((K, G), jnp.int32),
            pltpu.VMEM((G, F), jnp.float32),
            pltpu.VMEM((G, F), jnp.float32),
            pltpu.VMEM_SHARED((N_PAD, F), jnp.float32),
            pltpu.VMEM_SHARED((N_PAD, F), jnp.float32),
        ],
    )
    def agg(g_hbm, src_hbm, dst_hbm, zeros_hbm, out_hbm,
            src_v, dst_v, rows_v, zeros_v, g_sh, acc_sh):
        c = lax.axis_index("c")
        s = lax.axis_index("s")
        w = s * NC + c
        pltpu.sync_copy(zeros_hbm, zeros_v)
        pltpu.sync_copy(g_hbm.at[pl.ds(s * RPT, RPT)],
                        g_sh.at[pl.ds(s * RPT, RPT)])
        pltpu.sync_copy(src_hbm.at[w], src_v)
        pltpu.sync_copy(dst_hbm.at[w], dst_v)

        @pl.loop(0, RPT // G)
        def _(t):
            pltpu.sync_copy(zeros_v, acc_sh.at[pl.ds(s * RPT + t * G, G)])

        plsc.subcore_barrier()

        @pl.loop(0, K)
        def _(j):
            pltpu.sync_copy(g_sh.at[src_v.at[j]], rows_v)
            pltpu.sync_copy(rows_v, acc_sh.at[dst_v.at[j]], add=True)

        plsc.subcore_barrier()
        pltpu.sync_copy(acc_sh.at[pl.ds(s * RPT, RPT)],
                        out_hbm.at[c, pl.ds(s * RPT, RPT)])

    return agg


_sc_hist = _make_sc_hist()
_sc_agg32 = _make_sc_agg(32)
_sc_agg16 = _make_sc_agg(16)



def _mm1_body(x_ref, w_ref, o_ref):
    o_ref[...] = jnp.dot(x_ref[...], w_ref[...],
                         preferred_element_type=jnp.float32,
                         precision=jax.lax.Precision.HIGHEST)


def _tc_mm1(x_pad, W1):
    return pl.pallas_call(
        _mm1_body,
        out_shape=jax.ShapeDtypeStruct((N_PAD, 32), jnp.float32),
        grid=(N_PAD // BR,),
        in_specs=[pl.BlockSpec((BR, D_IN), lambda i: (i, 0)),
                  pl.BlockSpec((D_IN, 32), lambda i: (0, 0))],
        out_specs=pl.BlockSpec((BR, 32), lambda i: (i, 0)),
    )(x_pad, W1)


def _prep_body(cnt_ref, m1_ref, d_ref, g1_ref):
    cnt = cnt_ref[0, :, 0:1] + cnt_ref[1, :, 0:1]
    d = 1.0 / jnp.sqrt(cnt + 1.0)
    d_ref[...] = d
    g1_ref[...] = d * m1_ref[...]


def _tc_prep(cnt2, m1):
    return pl.pallas_call(
        _prep_body,
        out_shape=[jax.ShapeDtypeStruct((N_PAD, 1), jnp.float32),
                   jax.ShapeDtypeStruct((N_PAD, 32), jnp.float32)],
        grid=(N_PAD // BR,),
        in_specs=[pl.BlockSpec((NC, BR, 16), lambda i: (0, i, 0)),
                  pl.BlockSpec((BR, 32), lambda i: (i, 0))],
        out_specs=[pl.BlockSpec((BR, 1), lambda i: (i, 0)),
                   pl.BlockSpec((BR, 32), lambda i: (i, 0))],
    )(cnt2, m1)


def _l2_body(a_ref, m1_ref, d_ref, w2_ref, b1_ref, o_ref):
    d = d_ref[...]
    acc = a_ref[0] + a_ref[1]
    h1 = jnp.maximum(d * acc + (d * d) * m1_ref[...] + b1_ref[...], 0.0)
    o_ref[...] = jnp.dot(d * h1, w2_ref[...],
                         preferred_element_type=jnp.float32,
                         precision=jax.lax.Precision.HIGHEST)


def _tc_layer2(acc1, m1, d, W2, b1r):
    return pl.pallas_call(
        _l2_body,
        out_shape=jax.ShapeDtypeStruct((N_PAD, 16), jnp.float32),
        grid=(N_PAD // BR,),
        in_specs=[pl.BlockSpec((NC, BR, 32), lambda i: (0, i, 0)),
                  pl.BlockSpec((BR, 32), lambda i: (i, 0)),
                  pl.BlockSpec((BR, 1), lambda i: (i, 0)),
                  pl.BlockSpec((32, 16), lambda i: (0, 0)),
                  pl.BlockSpec((1, 32), lambda i: (0, 0))],
        out_specs=pl.BlockSpec((BR, 16), lambda i: (i, 0)),
    )(acc1, m1, d, W2, b1r)


def _l3_body(a_ref, g2_ref, d_ref, b2_ref, w3_ref, o_ref):
    d = d_ref[...]
    acc = a_ref[0] + a_ref[1]
    h2 = jnp.maximum(d * acc + d * g2_ref[...] + b2_ref[...], 0.0)
    y = jnp.dot(h2, w3_ref[...],
                preferred_element_type=jnp.float32,
                precision=jax.lax.Precision.HIGHEST)
    cols = lax.broadcasted_iota(jnp.int32, (BR, 16), 1)
    o_ref[...] = jnp.where(cols == 0, d * y, 0.0)


def _tc_layer3(acc2, g2, d, b2r, W3):
    return pl.pallas_call(
        _l3_body,
        out_shape=jax.ShapeDtypeStruct((N_PAD, 16), jnp.float32),
        grid=(N_PAD // BR,),
        in_specs=[pl.BlockSpec((NC, BR, 16), lambda i: (0, i, 0)),
                  pl.BlockSpec((BR, 16), lambda i: (i, 0)),
                  pl.BlockSpec((BR, 1), lambda i: (i, 0)),
                  pl.BlockSpec((1, 16), lambda i: (0, 0)),
                  pl.BlockSpec((16, 1), lambda i: (0, 0))],
        out_specs=pl.BlockSpec((BR, 16), lambda i: (i, 0)),
    )(acc2, g2, d, b2r, W3)


def _final_body(a_ref, g3_ref, d_ref, b3_ref, o_ref):
    d = d_ref[...]
    acc = a_ref[0, :, 0:1] + a_ref[1, :, 0:1] + g3_ref[...][:, 0:1]
    o_ref[...] = d * acc + b3_ref[...]


def _tc_final(acc3, g3, d, b3r):
    return pl.pallas_call(
        _final_body,
        out_shape=jax.ShapeDtypeStruct((N_PAD, 1), jnp.float32),
        grid=(N_PAD // BR,),
        in_specs=[pl.BlockSpec((NC, BR, 16), lambda i: (0, i, 0)),
                  pl.BlockSpec((BR, 16), lambda i: (i, 0)),
                  pl.BlockSpec((BR, 1), lambda i: (i, 0)),
                  pl.BlockSpec((1, 1), lambda i: (0, 0))],
        out_specs=pl.BlockSpec((BR, 1), lambda i: (i, 0)),
    )(acc3, g3, d, b3r)


@jax.jit
def kernel(x, edge_index, W1, b1, W2, b2, W3, b3):
    x_pad = jnp.pad(x, ((0, N_PAD - N), (0, 0)))
    pad_e = E_PAD - E
    ar = jnp.arange(pad_e, dtype=jnp.int32)
    pad_src = ar % 16
    pad_dst = N + (ar % (N_PAD - N))
    src3 = jnp.concatenate([edge_index[0], pad_src]).reshape(NW, K, G)
    dst3 = jnp.concatenate([edge_index[1], pad_dst]).reshape(NW, K, G)

    ones16 = jnp.ones((G, 16), jnp.float32)
    zeros16 = jnp.zeros((G, 16), jnp.float32)
    zeros32 = jnp.zeros((G, 32), jnp.float32)
    b1r = b1.reshape(1, 32)
    b2r = b2.reshape(1, 16)
    b3r = b3.reshape(1, 1)

    cnt2 = _sc_hist(dst3, ones16, zeros16)
    m1 = _tc_mm1(x_pad, W1)

    d, g1 = _tc_prep(cnt2, m1)

    acc1 = _sc_agg32(g1, src3, dst3, zeros32)
    g2 = _tc_layer2(acc1, m1, d, W2, b1r)

    acc2 = _sc_agg16(g2, src3, dst3, zeros16)
    g3 = _tc_layer3(acc2, g2, d, b2r, W3)

    acc3 = _sc_agg16(g3, src3, dst3, zeros16)
    out = _tc_final(acc3, g3, d, b3r)

    return out[:N]

# --- scband reference (transcript-rebuilt; emitter-appended) ---
"""Pipeline reference for scband-gnn-16724602650757 (READ-ONLY COPY).

The authoritative reference and input builder live on the scoring server;
editing this copy changes nothing except your own understanding.
"""

import jax, jax.numpy as jnp
import numpy as np

N = 10000
E = 320000
D_IN = 128


def setup_inputs(seed: int = 0) -> dict:
    key = jax.random.key(seed)
    ks = jax.random.split(key, 8)
    x = jax.random.normal(ks[0], (N, D_IN), dtype=jnp.float32)
    edge_index = jax.random.randint(ks[1], (2, E), 0, N, dtype=jnp.int32)
    W1 = jax.random.normal(ks[2], (D_IN, 32), dtype=jnp.float32) * (1.0 / np.sqrt(D_IN))
    b1 = jnp.zeros((32,), dtype=jnp.float32)
    W2 = jax.random.normal(ks[3], (32, 16), dtype=jnp.float32) * (1.0 / np.sqrt(32))
    b2 = jnp.zeros((16,), dtype=jnp.float32)
    W3 = jax.random.normal(ks[4], (16, 1), dtype=jnp.float32) * (1.0 / np.sqrt(16))
    b3 = jnp.zeros((1,), dtype=jnp.float32)
    return {"x": x, "edge_index": edge_index, "W1": W1, "b1": b1, "W2": W2, "b2": b2, "W3": W3, "b3": b3}


def _gcn_conv(x, src, dst, norm, W, b):
    # GCNConv: x' = D^{-1/2} (A + I) D^{-1/2} x W + b
    h = x @ W
    msg = norm[:, None] * jnp.take(h, src, axis=0)
    out = jax.ops.segment_sum(msg, dst, num_segments=N)
    return out + b


def _build_norm(edge_index):
    loop = jnp.arange(N, dtype=edge_index.dtype)
    src = jnp.concatenate([edge_index[0], loop])
    dst = jnp.concatenate([edge_index[1], loop])
    deg = jax.ops.segment_sum(jnp.ones_like(dst, dtype=jnp.float32), dst, num_segments=N)
    deg_inv_sqrt = jnp.where(deg > 0, 1.0 / jnp.sqrt(deg), 0.0)
    norm = jnp.take(deg_inv_sqrt, src) * jnp.take(deg_inv_sqrt, dst)
    return src, dst, norm


def reference(x, edge_index, W1, b1, W2, b2, W3, b3):
    src, dst, norm = _build_norm(edge_index)
    h = _gcn_conv(x, src, dst, norm, W1, b1)
    h = jax.nn.relu(h)
    h = _gcn_conv(h, src, dst, norm, W2, b2)
    h = jax.nn.relu(h)
    out = _gcn_conv(h, src, dst, norm, W3, b3)
    return out

if __name__ == "__main__":
    import jax
    _d = setup_inputs()
    print(jax.jit(kernel)(*tuple(_d.values())))

</pallas_src>

<mosaic_0001>
#map = affine_map<(d0, d1) -> (0, 0, 0)>
#map1 = affine_map<(d0, d1) -> (0, 0)>
module attributes {stable_mosaic.version = 14 : i64} {
  func.func @hist(%arg0: i32, %arg1: i32, %arg2: memref<32x79x128xi32, #tpu.memory_space<hbm>>, %arg3: memref<128x16xf32, #tpu.memory_space<hbm>>, %arg4: memref<128x16xf32, #tpu.memory_space<hbm>>, %arg5: memref<2x10240x16xf32, #tpu.memory_space<hbm>>, %arg6: memref<79x128xi32, #tpu.memory_space<vmem>>, %arg7: memref<128x16xf32, #tpu.memory_space<vmem>>, %arg8: memref<128x16xf32, #tpu.memory_space<vmem>>, %arg9: memref<128x16xf32, #tpu.memory_space<vmem_shared>>, %arg10: memref<10240x16xf32, #tpu.memory_space<vmem_shared>>) attributes {dimension_semantics = [#tpu.dimension_semantics<core_parallel>, #tpu.dimension_semantics<subcore_parallel>], iteration_bounds = array<i64: 2, 16>, scalar_prefetch = 0 : i64, scratch_operands = 5 : i64, tpu.core_type = #tpu.core_type<sc_vector_subcore>, window_params = [{transform_indices = #map}, {transform_indices = #map1}, {transform_indices = #map1}, {transform_indices = #map}]} {
    %mul3A = arith.constant 2 : i32
    %mul3A_0 = arith.muli %arg1, %mul3A : i32
    %add3A = arith.addi %mul3A_0, %arg0 : i32
    "tpu.region"() ({
      %run_scoped3A = tpu.sem_alloc : memref<!tpu.dma_semaphore, #tpu.memory_space<semaphore_mem>>
      tpu.enqueue_dma source(%arg4 : memref<128x16xf32, #tpu.memory_space<hbm>>) target(%arg8 : memref<128x16xf32, #tpu.memory_space<vmem>>) target_semaphore(%run_scoped3A : memref<!tpu.dma_semaphore, #tpu.memory_space<semaphore_mem>>)
      tpu.wait_dma2 semaphore(%run_scoped3A : memref<!tpu.dma_semaphore, #tpu.memory_space<semaphore_mem>>) src(%arg4 : memref<128x16xf32, #tpu.memory_space<hbm>>) dst(%arg8 : memref<128x16xf32, #tpu.memory_space<vmem>>)
      tpu.yield
    }) : () -> ()
    "tpu.region"() ({
      %run_scoped3A = tpu.sem_alloc : memref<!tpu.dma_semaphore, #tpu.memory_space<semaphore_mem>>
      tpu.enqueue_dma source(%arg3 : memref<128x16xf32, #tpu.memory_space<hbm>>) target(%arg7 : memref<128x16xf32, #tpu.memory_space<vmem>>) target_semaphore(%run_scoped3A : memref<!tpu.dma_semaphore, #tpu.memory_space<semaphore_mem>>)
      tpu.wait_dma2 semaphore(%run_scoped3A : memref<!tpu.dma_semaphore, #tpu.memory_space<semaphore_mem>>) src(%arg3 : memref<128x16xf32, #tpu.memory_space<hbm>>) dst(%arg7 : memref<128x16xf32, #tpu.memory_space<vmem>>)
      tpu.yield
    }) : () -> ()
    %eq3A = arith.constant 0 : i32
    %eq3A_1 = arith.cmpi eq, %arg1, %eq3A : i32
    %convert_element_type3A = arith.extui %eq3A_1 : i1 to i32
    %cond3A = arith.constant 0 : i32
    %cond3A_2 = arith.cmpi ne, %convert_element_type3A, %cond3A : i32
    scf.if %cond3A_2 {
      "tpu.region"() ({
        %run_scoped3A = tpu.sem_alloc : memref<!tpu.dma_semaphore, #tpu.memory_space<semaphore_mem>>
        tpu.enqueue_dma source(%arg7 : memref<128x16xf32, #tpu.memory_space<vmem>>) target(%arg9 : memref<128x16xf32, #tpu.memory_space<vmem_shared>>) target_semaphore(%run_scoped3A : memref<!tpu.dma_semaphore, #tpu.memory_space<semaphore_mem>>)
        tpu.wait_dma2 semaphore(%run_scoped3A : memref<!tpu.dma_semaphore, #tpu.memory_space<semaphore_mem>>) src(%arg7 : memref<128x16xf32, #tpu.memory_space<vmem>>) dst(%arg9 : memref<128x16xf32, #tpu.memory_space<vmem_shared>>)
        tpu.yield
      }) : () -> ()
    } else {
    }
    "tpu.region"() ({
      %run_scoped3A = tpu.sem_alloc : memref<!tpu.dma_semaphore, #tpu.memory_space<semaphore_mem>>
      %dma_start3A = arith.constant 0 : i32
      %dma_start3A_17 = arith.constant 0 : i32
      %dma_start3A_18 = tpu.memref_slice %arg2[%add3A, %dma_start3A, %dma_start3A_17] : memref<32x79x128xi32, #tpu.memory_space<hbm>> -> memref<1x79x128xi32, #tpu.memory_space<hbm>>
      %dma_start3A_19 = tpu.memref_squeeze %dma_start3A_18 : memref<1x79x128xi32, #tpu.memory_space<hbm>> -> memref<79x128xi32, #tpu.memory_space<hbm>>
      %dma_start3A_20 = arith.constant 0 : i32
      %dma_start3A_21 = arith.constant 0 : i32
      %dma_start3A_22 = tpu.memref_slice %arg2[%add3A, %dma_start3A_20, %dma_start3A_21] : memref<32x79x128xi32, #tpu.memory_space<hbm>> -> memref<1x79x128xi32, #tpu.memory_space<hbm>>
      %dma_start3A_23 = tpu.memref_squeeze %dma_start3A_22 : memref<1x79x128xi32, #tpu.memory_space<hbm>> -> memref<79x128xi32, #tpu.memory_space<hbm>>
      tpu.enqueue_dma source(%dma_start3A_23 : memref<79x128xi32, #tpu.memory_space<hbm>>) target(%arg6 : memref<79x128xi32, #tpu.memory_space<vmem>>) target_semaphore(%run_scoped3A : memref<!tpu.dma_semaphore, #tpu.memory_space<semaphore_mem>>)
      %dma_wait3A = arith.constant 0 : i32
      %dma_wait3A_24 = arith.constant 0 : i32
      %dma_wait3A_25 = tpu.memref_slice %arg2[%add3A, %dma_wait3A, %dma_wait3A_24] : memref<32x79x128xi32, #tpu.memory_space<hbm>> -> memref<1x79x128xi32, #tpu.memory_space<hbm>>
      %dma_wait3A_26 = tpu.memref_squeeze %dma_wait3A_25 : memref<1x79x128xi32, #tpu.memory_space<hbm>> -> memref<79x128xi32, #tpu.memory_space<hbm>>
      %dma_wait3A_27 = arith.constant 0 : i32
      %dma_wait3A_28 = arith.constant 0 : i32
      %dma_wait3A_29 = tpu.memref_slice %arg2[%add3A, %dma_wait3A_27, %dma_wait3A_28] : memref<32x79x128xi32, #tpu.memory_space<hbm>> -> memref<1x79x128xi32, #tpu.memory_space<hbm>>
      %dma_wait3A_30 = tpu.memref_squeeze %dma_wait3A_29 : memref<1x79x128xi32, #tpu.memory_space<hbm>> -> memref<79x128xi32, #tpu.memory_space<hbm>>
      tpu.wait_dma2 semaphore(%run_scoped3A : memref<!tpu.dma_semaphore, #tpu.memory_space<semaphore_mem>>) src(%dma_wait3A_30 : memref<79x128xi32, #tpu.memory_space<hbm>>) dst(%arg6 : memref<79x128xi32, #tpu.memory_space<vmem>>)
      tpu.yield
    }) : () -> ()
    %scan3A = arith.constant 0 : i32
    %scan3A_3 = arith.constant 5 : i32
    %scan3A_4 = arith.addi %scan3A, %scan3A_3 : i32
    %scan3A_5 = arith.constant 1 : i32
    scf.for %scan3A_17 = %scan3A to %scan3A_4 step %scan3A_5  : i32 {
      %mul3A_18 = arith.constant 1 : i32
      %mul3A_19 = arith.muli %scan3A_17, %mul3A_18 : i32
      %add3A_20 = arith.constant 0 : i32
      %add3A_21 = arith.addi %add3A_20, %mul3A_19 : i32
      %mul3A_22 = arith.constant 640 : i32
      %mul3A_23 = arith.muli %arg1, %mul3A_22 : i32
      %mul3A_24 = arith.constant 128 : i32
      %mul3A_25 = arith.muli %add3A_21, %mul3A_24 : i32
      %add3A_26 = arith.addi %mul3A_23, %mul3A_25 : i32
      "tpu.region"() ({
        %run_scoped3A = tpu.sem_alloc : memref<!tpu.dma_semaphore, #tpu.memory_space<semaphore_mem>>
        %dma_start3A = arith.constant 0 : i32
        %dma_start3A_27 = tpu.memref_slice %arg10[%add3A_26, %dma_start3A] : memref<10240x16xf32, #tpu.memory_space<vmem_shared>> -> memref<128x16xf32, #tpu.memory_space<vmem_shared>>
        %dma_start3A_28 = arith.constant 0 : i32
        %dma_start3A_29 = tpu.memref_slice %arg10[%add3A_26, %dma_start3A_28] : memref<10240x16xf32, #tpu.memory_space<vmem_shared>> -> memref<128x16xf32, #tpu.memory_space<vmem_shared>>
        tpu.enqueue_dma source(%arg8 : memref<128x16xf32, #tpu.memory_space<vmem>>) target(%dma_start3A_29 : memref<128x16xf32, #tpu.memory_space<vmem_shared>>) target_semaphore(%run_scoped3A : memref<!tpu.dma_semaphore, #tpu.memory_space<semaphore_mem>>)
        %dma_wait3A = arith.constant 0 : i32
        %dma_wait3A_30 = tpu.memref_slice %arg10[%add3A_26, %dma_wait3A] : memref<10240x16xf32, #tpu.memory_space<vmem_shared>> -> memref<128x16xf32, #tpu.memory_space<vmem_shared>>
        %dma_wait3A_31 = arith.constant 0 : i32
        %dma_wait3A_32 = tpu.memref_slice %arg10[%add3A_26, %dma_wait3A_31] : memref<10240x16xf32, #tpu.memory_space<vmem_shared>> -> memref<128x16xf32, #tpu.memory_space<vmem_shared>>
        tpu.wait_dma2 semaphore(%run_scoped3A : memref<!tpu.dma_semaphore, #tpu.memory_space<semaphore_mem>>) src(%arg8 : memref<128x16xf32, #tpu.memory_space<vmem>>) dst(%dma_wait3A_32 : memref<128x16xf32, #tpu.memory_space<vmem_shared>>)
        tpu.yield
      }) : () -> ()
    }
    %scan3A_6 = arith.constant 5 : i32
    %barrier3A = arith.constant 0 : index
    tpu.barrier barrier_id(%barrier3A)
    %scan3A_7 = arith.constant 0 : i32
    %scan3A_8 = arith.constant 79 : i32
    %scan3A_9 = arith.addi %scan3A_7, %scan3A_8 : i32
    %scan3A_10 = arith.constant 1 : i32
    scf.for %scan3A_17 = %scan3A_7 to %scan3A_9 step %scan3A_10  : i32 {
      %mul3A_18 = arith.constant 1 : i32
      %mul3A_19 = arith.muli %scan3A_17, %mul3A_18 : i32
      %add3A_20 = arith.constant 0 : i32
      %add3A_21 = arith.addi %add3A_20, %mul3A_19 : i32
      "tpu.region"() ({
        %run_scoped3A = tpu.sem_alloc : memref<!tpu.dma_semaphore, #tpu.memory_space<semaphore_mem>>
        tpu.enqueue_dma source(%arg9 : memref<128x16xf32, #tpu.memory_space<vmem_shared>>) target(%arg7 : memref<128x16xf32, #tpu.memory_space<vmem>>) target_semaphore(%run_scoped3A : memref<!tpu.dma_semaphore, #tpu.memory_space<semaphore_mem>>)
        tpu.wait_dma2 semaphore(%run_scoped3A : memref<!tpu.dma_semaphore, #tpu.memory_space<semaphore_mem>>) src(%arg9 : memref<128x16xf32, #tpu.memory_space<vmem_shared>>) dst(%arg7 : memref<128x16xf32, #tpu.memory_space<vmem>>)
        tpu.yield
      }) : () -> ()
      "tpu.region"() ({
        %run_scoped3A = tpu.sem_alloc : memref<!tpu.dma_semaphore, #tpu.memory_space<semaphore_mem>>
        %dma_start3A = arith.constant 0 : i32
        %dma_start3A_22 = tpu.memref_slice %arg6[%add3A_21, %dma_start3A] : memref<79x128xi32, #tpu.memory_space<vmem>> -> memref<1x128xi32, #tpu.memory_space<vmem>>
        %dma_start3A_23 = tpu.memref_squeeze %dma_start3A_22 : memref<1x128xi32, #tpu.memory_space<vmem>> -> memref<128xi32, #tpu.memory_space<vmem>>
        %dma_start3A_24 = arith.constant 0 : i32
        %dma_start3A_25 = arith.constant 0 : i32
        %dma_start3A_26 = tpu.memref_slice %arg10[%dma_start3A_24, %dma_start3A_25] : memref<10240x16xf32, #tpu.memory_space<vmem_shared>> -> memref<10240x16xf32, #tpu.memory_space<vmem_shared>>
        tpu.enqueue_indirect_dma source(%arg7 : memref<128x16xf32, #tpu.memory_space<vmem>>) target(%dma_start3A_26 : memref<10240x16xf32, #tpu.memory_space<vmem_shared>>) offsets(%dma_start3A_23 : memref<128xi32, #tpu.memory_space<vmem>>) semaphore(%run_scoped3A : memref<!tpu.dma_semaphore, #tpu.memory_space<semaphore_mem>>) {add = true}
        %dma_wait3A = arith.constant 0 : i32
        %dma_wait3A_27 = tpu.memref_slice %arg6[%add3A_21, %dma_wait3A] : memref<79x128xi32, #tpu.memory_space<vmem>> -> memref<1x128xi32, #tpu.memory_space<vmem>>
        %dma_wait3A_28 = tpu.memref_squeeze %dma_wait3A_27 : memref<1x128xi32, #tpu.memory_space<vmem>> -> memref<128xi32, #tpu.memory_space<vmem>>
        %dma_wait3A_29 = arith.constant 0 : i32
        %dma_wait3A_30 = arith.constant 0 : i32
        %dma_wait3A_31 = tpu.memref_slice %arg10[%dma_wait3A_29, %dma_wait3A_30] : memref<10240x16xf32, #tpu.memory_space<vmem_shared>> -> memref<10240x16xf32, #tpu.memory_space<vmem_shared>>
        tpu.wait_indirect_dma semaphore(%run_scoped3A : memref<!tpu.dma_semaphore, #tpu.memory_space<semaphore_mem>>) src(%arg7 : memref<128x16xf32, #tpu.memory_space<vmem>>) dst(%dma_wait3A_31 : memref<10240x16xf32, #tpu.memory_space<vmem_shared>>)
        tpu.yield
      }) : () -> ()
    }
    %scan3A_11 = arith.constant 79 : i32
    %barrier3A_12 = arith.constant 0 : index
    tpu.barrier barrier_id(%barrier3A_12)
    %mul3A_13 = arith.constant 640 : i32
    %mul3A_14 = arith.muli %arg1, %mul3A_13 : i32
    %mul3A_15 = arith.constant 640 : i32
    %mul3A_16 = arith.muli %arg1, %mul3A_15 : i32
    "tpu.region"() ({
      %run_scoped3A = tpu.sem_alloc : memref<!tpu.dma_semaphore, #tpu.memory_space<semaphore_mem>>
      %dma_start3A = arith.constant 0 : i32
      %dma_start3A_17 = tpu.memref_slice %arg5[%arg0, %mul3A_16, %dma_start3A] : memref<2x10240x16xf32, #tpu.memory_space<hbm>> -> memref<1x640x16xf32, #tpu.memory_space<hbm>>
      %dma_start3A_18 = tpu.memref_squeeze %dma_start3A_17 : memref<1x640x16xf32, #tpu.memory_space<hbm>> -> memref<640x16xf32, #tpu.memory_space<hbm>>
      %dma_start3A_19 = arith.constant 0 : i32
      %dma_start3A_20 = tpu.memref_slice %arg10[%mul3A_14, %dma_start3A_19] : memref<10240x16xf32, #tpu.memory_space<vmem_shared>> -> memref<640x16xf32, #tpu.memory_space<vmem_shared>>
      tpu.enqueue_dma source(%dma_start3A_20 : memref<640x16xf32, #tpu.memory_space<vmem_shared>>) target(%dma_start3A_18 : memref<640x16xf32, #tpu.memory_space<hbm>>) target_semaphore(%run_scoped3A : memref<!tpu.dma_semaphore, #tpu.memory_space<semaphore_mem>>)
      %dma_wait3A = arith.constant 0 : i32
      %dma_wait3A_21 = tpu.memref_slice %arg5[%arg0, %mul3A_16, %dma_wait3A] : memref<2x10240x16xf32, #tpu.memory_space<hbm>> -> memref<1x640x16xf32, #tpu.memory_space<hbm>>
      %dma_wait3A_22 = tpu.memref_squeeze %dma_wait3A_21 : memref<1x640x16xf32, #tpu.memory_space<hbm>> -> memref<640x16xf32, #tpu.memory_space<hbm>>
      %dma_wait3A_23 = arith.constant 0 : i32
      %dma_wait3A_24 = tpu.memref_slice %arg10[%mul3A_14, %dma_wait3A_23] : memref<10240x16xf32, #tpu.memory_space<vmem_shared>> -> memref<640x16xf32, #tpu.memory_space<vmem_shared>>
      tpu.wait_dma2 semaphore(%run_scoped3A : memref<!tpu.dma_semaphore, #tpu.memory_space<semaphore_mem>>) src(%dma_wait3A_24 : memref<640x16xf32, #tpu.memory_space<vmem_shared>>) dst(%dma_wait3A_22 : memref<640x16xf32, #tpu.memory_space<hbm>>)
      tpu.yield
    }) : () -> ()
    return
  }
}

#map = affine_map<(d0, d1) -> (0, 0)>
#map1 = affine_map<(d0, d1) -> (0, 0, 0)>
module attributes {stable_mosaic.version = 14 : i64} {
  func.func @agg(%arg0: i32, %arg1: i32, %arg2: memref<10240x16xf32, #tpu.memory_space<hbm>>, %arg3: memref<32x79x128xi32, #tpu.memory_space<hbm>>, %arg4: memref<32x79x128xi32, #tpu.memory_space<hbm>>, %arg5: memref<128x16xf32, #tpu.memory_space<hbm>>, %arg6: memref<2x10240x16xf32, #tpu.memory_space<hbm>>, %arg7: memref<79x128xi32, #tpu.memory_space<vmem>>, %arg8: memref<79x128xi32, #tpu.memory_space<vmem>>, %arg9: memref<128x16xf32, #tpu.memory_space<vmem>>, %arg10: memref<128x16xf32, #tpu.memory_space<vmem>>, %arg11: memref<10240x16xf32, #tpu.memory_space<vmem_shared>>, %arg12: memref<10240x16xf32, #tpu.memory_space<vmem_shared>>) attributes {dimension_semantics = [#tpu.dimension_semantics<core_parallel>, #tpu.dimension_semantics<subcore_parallel>], iteration_bounds = array<i64: 2, 16>, scalar_prefetch = 0 : i64, scratch_operands = 6 : i64, tpu.core_type = #tpu.core_type<sc_vector_subcore>, window_params = [{transform_indices = #map}, {transform_indices = #map1}, {transform_indices = #map1}, {transform_indices = #map}, {transform_indices = #map1}]} {
    %mul3A = arith.constant 2 : i32
    %mul3A_0 = arith.muli %arg1, %mul3A : i32
    %add3A = arith.addi %mul3A_0, %arg0 : i32
    "tpu.region"() ({
      %run_scoped3A = tpu.sem_alloc : memref<!tpu.dma_semaphore, #tpu.memory_space<semaphore_mem>>
      tpu.enqueue_dma source(%arg5 : memref<128x16xf32, #tpu.memory_space<hbm>>) target(%arg10 : memref<128x16xf32, #tpu.memory_space<vmem>>) target_semaphore(%run_scoped3A : memref<!tpu.dma_semaphore, #tpu.memory_space<semaphore_mem>>)
      tpu.wait_dma2 semaphore(%run_scoped3A : memref<!tpu.dma_semaphore, #tpu.memory_space<semaphore_mem>>) src(%arg5 : memref<128x16xf32, #tpu.memory_space<hbm>>) dst(%arg10 : memref<128x16xf32, #tpu.memory_space<vmem>>)
      tpu.yield
    }) : () -> ()
    %mul3A_1 = arith.constant 640 : i32
    %mul3A_2 = arith.muli %arg1, %mul3A_1 : i32
    %mul3A_3 = arith.constant 640 : i32
    %mul3A_4 = arith.muli %arg1, %mul3A_3 : i32
    "tpu.region"() ({
      %run_scoped3A = tpu.sem_alloc : memref<!tpu.dma_semaphore, #tpu.memory_space<semaphore_mem>>
      %dma_start3A = arith.constant 0 : i32
      %dma_start3A_19 = tpu.memref_slice %arg11[%mul3A_4, %dma_start3A] : memref<10240x16xf32, #tpu.memory_space<vmem_shared>> -> memref<640x16xf32, #tpu.memory_space<vmem_shared>>
      %dma_start3A_20 = arith.constant 0 : i32
      %dma_start3A_21 = tpu.memref_slice %arg2[%mul3A_2, %dma_start3A_20] : memref<10240x16xf32, #tpu.memory_space<hbm>> -> memref<640x16xf32, #tpu.memory_space<hbm>>
      tpu.enqueue_dma source(%dma_start3A_21 : memref<640x16xf32, #tpu.memory_space<hbm>>) target(%dma_start3A_19 : memref<640x16xf32, #tpu.memory_space<vmem_shared>>) target_semaphore(%run_scoped3A : memref<!tpu.dma_semaphore, #tpu.memory_space<semaphore_mem>>)
      %dma_wait3A = arith.constant 0 : i32
      %dma_wait3A_22 = tpu.memref_slice %arg11[%mul3A_4, %dma_wait3A] : memref<10240x16xf32, #tpu.memory_space<vmem_shared>> -> memref<640x16xf32, #tpu.memory_space<vmem_shared>>
      %dma_wait3A_23 = arith.constant 0 : i32
      %dma_wait3A_24 = tpu.memref_slice %arg2[%mul3A_2, %dma_wait3A_23] : memref<10240x16xf32, #tpu.memory_space<hbm>> -> memref<640x16xf32, #tpu.memory_space<hbm>>
      tpu.wait_dma2 semaphore(%run_scoped3A : memref<!tpu.dma_semaphore, #tpu.memory_space<semaphore_mem>>) src(%dma_wait3A_24 : memref<640x16xf32, #tpu.memory_space<hbm>>) dst(%dma_wait3A_22 : memref<640x16xf32, #tpu.memory_space<vmem_shared>>)
      tpu.yield
    }) : () -> ()
    "tpu.region"() ({
      %run_scoped3A = tpu.sem_alloc : memref<!tpu.dma_semaphore, #tpu.memory_space<semaphore_mem>>
      %dma_start3A = arith.constant 0 : i32
      %dma_start3A_19 = arith.constant 0 : i32
      %dma_start3A_20 = tpu.memref_slice %arg3[%add3A, %dma_start3A, %dma_start3A_19] : memref<32x79x128xi32, #tpu.memory_space<hbm>> -> memref<1x79x128xi32, #tpu.memory_space<hbm>>
      %dma_start3A_21 = tpu.memref_squeeze %dma_start3A_20 : memref<1x79x128xi32, #tpu.memory_space<hbm>> -> memref<79x128xi32, #tpu.memory_space<hbm>>
      %dma_start3A_22 = arith.constant 0 : i32
      %dma_start3A_23 = arith.constant 0 : i32
      %dma_start3A_24 = tpu.memref_slice %arg3[%add3A, %dma_start3A_22, %dma_start3A_23] : memref<32x79x128xi32, #tpu.memory_space<hbm>> -> memref<1x79x128xi32, #tpu.memory_space<hbm>>
      %dma_start3A_25 = tpu.memref_squeeze %dma_start3A_24 : memref<1x79x128xi32, #tpu.memory_space<hbm>> -> memref<79x128xi32, #tpu.memory_space<hbm>>
      tpu.enqueue_dma source(%dma_start3A_25 : memref<79x128xi32, #tpu.memory_space<hbm>>) target(%arg7 : memref<79x128xi32, #tpu.memory_space<vmem>>) target_semaphore(%run_scoped3A : memref<!tpu.dma_semaphore, #tpu.memory_space<semaphore_mem>>)
      %dma_wait3A = arith.constant 0 : i32
      %dma_wait3A_26 = arith.constant 0 : i32
      %dma_wait3A_27 = tpu.memref_slice %arg3[%add3A, %dma_wait3A, %dma_wait3A_26] : memref<32x79x128xi32, #tpu.memory_space<hbm>> -> memref<1x79x128xi32, #tpu.memory_space<hbm>>
      %dma_wait3A_28 = tpu.memref_squeeze %dma_wait3A_27 : memref<1x79x128xi32, #tpu.memory_space<hbm>> -> memref<79x128xi32, #tpu.memory_space<hbm>>
      %dma_wait3A_29 = arith.constant 0 : i32
      %dma_wait3A_30 = arith.constant 0 : i32
      %dma_wait3A_31 = tpu.memref_slice %arg3[%add3A, %dma_wait3A_29, %dma_wait3A_30] : memref<32x79x128xi32, #tpu.memory_space<hbm>> -> memref<1x79x128xi32, #tpu.memory_space<hbm>>
      %dma_wait3A_32 = tpu.memref_squeeze %dma_wait3A_31 : memref<1x79x128xi32, #tpu.memory_space<hbm>> -> memref<79x128xi32, #tpu.memory_space<hbm>>
      tpu.wait_dma2 semaphore(%run_scoped3A : memref<!tpu.dma_semaphore, #tpu.memory_space<semaphore_mem>>) src(%dma_wait3A_32 : memref<79x128xi32, #tpu.memory_space<hbm>>) dst(%arg7 : memref<79x128xi32, #tpu.memory_space<vmem>>)
      tpu.yield
    }) : () -> ()
    "tpu.region"() ({
      %run_scoped3A = tpu.sem_alloc : memref<!tpu.dma_semaphore, #tpu.memory_space<semaphore_mem>>
      %dma_start3A = arith.constant 0 : i32
      %dma_start3A_19 = arith.constant 0 : i32
      %dma_start3A_20 = tpu.memref_slice %arg4[%add3A, %dma_start3A, %dma_start3A_19] : memref<32x79x128xi32, #tpu.memory_space<hbm>> -> memref<1x79x128xi32, #tpu.memory_space<hbm>>
      %dma_start3A_21 = tpu.memref_squeeze %dma_start3A_20 : memref<1x79x128xi32, #tpu.memory_space<hbm>> -> memref<79x128xi32, #tpu.memory_space<hbm>>
      %dma_start3A_22 = arith.constant 0 : i32
      %dma_start3A_23 = arith.constant 0 : i32
      %dma_start3A_24 = tpu.memref_slice %arg4[%add3A, %dma_start3A_22, %dma_start3A_23] : memref<32x79x128xi32, #tpu.memory_space<hbm>> -> memref<1x79x128xi32, #tpu.memory_space<hbm>>
      %dma_start3A_25 = tpu.memref_squeeze %dma_start3A_24 : memref<1x79x128xi32, #tpu.memory_space<hbm>> -> memref<79x128xi32, #tpu.memory_space<hbm>>
      tpu.enqueue_dma source(%dma_start3A_25 : memref<79x128xi32, #tpu.memory_space<hbm>>) target(%arg8 : memref<79x128xi32, #tpu.memory_space<vmem>>) target_semaphore(%run_scoped3A : memref<!tpu.dma_semaphore, #tpu.memory_space<semaphore_mem>>)
      %dma_wait3A = arith.constant 0 : i32
      %dma_wait3A_26 = arith.constant 0 : i32
      %dma_wait3A_27 = tpu.memref_slice %arg4[%add3A, %dma_wait3A, %dma_wait3A_26] : memref<32x79x128xi32, #tpu.memory_space<hbm>> -> memref<1x79x128xi32, #tpu.memory_space<hbm>>
      %dma_wait3A_28 = tpu.memref_squeeze %dma_wait3A_27 : memref<1x79x128xi32, #tpu.memory_space<hbm>> -> memref<79x128xi32, #tpu.memory_space<hbm>>
      %dma_wait3A_29 = arith.constant 0 : i32
      %dma_wait3A_30 = arith.constant 0 : i32
      %dma_wait3A_31 = tpu.memref_slice %arg4[%add3A, %dma_wait3A_29, %dma_wait3A_30] : memref<32x79x128xi32, #tpu.memory_space<hbm>> -> memref<1x79x128xi32, #tpu.memory_space<hbm>>
      %dma_wait3A_32 = tpu.memref_squeeze %dma_wait3A_31 : memref<1x79x128xi32, #tpu.memory_space<hbm>> -> memref<79x128xi32, #tpu.memory_space<hbm>>
      tpu.wait_dma2 semaphore(%run_scoped3A : memref<!tpu.dma_semaphore, #tpu.memory_space<semaphore_mem>>) src(%dma_wait3A_32 : memref<79x128xi32, #tpu.memory_space<hbm>>) dst(%arg8 : memref<79x128xi32, #tpu.memory_space<vmem>>)
      tpu.yield
    }) : () -> ()
    %scan3A = arith.constant 0 : i32
    %scan3A_5 = arith.constant 5 : i32
    %scan3A_6 = arith.addi %scan3A, %scan3A_5 : i32
    %scan3A_7 = arith.constant 1 : i32
    scf.for %scan3A_19 = %scan3A to %scan3A_6 step %scan3A_7  : i32 {
      %mul3A_20 = arith.constant 1 : i32
      %mul3A_21 = arith.muli %scan3A_19, %mul3A_20 : i32
      %add3A_22 = arith.constant 0 : i32
      %add3A_23 = arith.addi %add3A_22, %mul3A_21 : i32
      %mul3A_24 = arith.constant 640 : i32
      %mul3A_25 = arith.muli %arg1, %mul3A_24 : i32
      %mul3A_26 = arith.constant 128 : i32
      %mul3A_27 = arith.muli %add3A_23, %mul3A_26 : i32
      %add3A_28 = arith.addi %mul3A_25, %mul3A_27 : i32
      "tpu.region"() ({
        %run_scoped3A = tpu.sem_alloc : memref<!tpu.dma_semaphore, #tpu.memory_space<semaphore_mem>>
        %dma_start3A = arith.constant 0 : i32
        %dma_start3A_29 = tpu.memref_slice %arg12[%add3A_28, %dma_start3A] : memref<10240x16xf32, #tpu.memory_space<vmem_shared>> -> memref<128x16xf32, #tpu.memory_space<vmem_shared>>
        %dma_start3A_30 = arith.constant 0 : i32
        %dma_start3A_31 = tpu.memref_slice %arg12[%add3A_28, %dma_start3A_30] : memref<10240x16xf32, #tpu.memory_space<vmem_shared>> -> memref<128x16xf32, #tpu.memory_space<vmem_shared>>
        tpu.enqueue_dma source(%arg10 : memref<128x16xf32, #tpu.memory_space<vmem>>) target(%dma_start3A_31 : memref<128x16xf32, #tpu.memory_space<vmem_shared>>) target_semaphore(%run_scoped3A : memref<!tpu.dma_semaphore, #tpu.memory_space<semaphore_mem>>)
        %dma_wait3A = arith.constant 0 : i32
        %dma_wait3A_32 = tpu.memref_slice %arg12[%add3A_28, %dma_wait3A] : memref<10240x16xf32, #tpu.memory_space<vmem_shared>> -> memref<128x16xf32, #tpu.memory_space<vmem_shared>>
        %dma_wait3A_33 = arith.constant 0 : i32
        %dma_wait3A_34 = tpu.memref_slice %arg12[%add3A_28, %dma_wait3A_33] : memref<10240x16xf32, #tpu.memory_space<vmem_shared>> -> memref<128x16xf32, #tpu.memory_space<vmem_shared>>
        tpu.wait_dma2 semaphore(%run_scoped3A : memref<!tpu.dma_semaphore, #tpu.memory_space<semaphore_mem>>) src(%arg10 : memref<128x16xf32, #tpu.memory_space<vmem>>) dst(%dma_wait3A_34 : memref<128x16xf32, #tpu.memory_space<vmem_shared>>)
        tpu.yield
      }) : () -> ()
    }
    %scan3A_8 = arith.constant 5 : i32
    %barrier3A = arith.constant 0 : index
    tpu.barrier barrier_id(%barrier3A)
    %scan3A_9 = arith.constant 0 : i32
    %scan3A_10 = arith.constant 79 : i32
    %scan3A_11 = arith.addi %scan3A_9, %scan3A_10 : i32
    %scan3A_12 = arith.constant 1 : i32
    scf.for %scan3A_19 = %scan3A_9 to %scan3A_11 step %scan3A_12  : i32 {
      %mul3A_20 = arith.constant 1 : i32
      %mul3A_21 = arith.muli %scan3A_19, %mul3A_20 : i32
      %add3A_22 = arith.constant 0 : i32
      %add3A_23 = arith.addi %add3A_22, %mul3A_21 : i32
      "tpu.region"() ({
        %run_scoped3A = tpu.sem_alloc : memref<!tpu.dma_semaphore, #tpu.memory_space<semaphore_mem>>
        %dma_start3A = arith.constant 0 : i32
        %dma_start3A_24 = tpu.memref_slice %arg7[%add3A_23, %dma_start3A] : memref<79x128xi32, #tpu.memory_space<vmem>> -> memref<1x128xi32, #tpu.memory_space<vmem>>
        %dma_start3A_25 = tpu.memref_squeeze %dma_start3A_24 : memref<1x128xi32, #tpu.memory_space<vmem>> -> memref<128xi32, #tpu.memory_space<vmem>>
        %dma_start3A_26 = arith.constant 0 : i32
        %dma_start3A_27 = arith.constant 0 : i32
        %dma_start3A_28 = tpu.memref_slice %arg11[%dma_start3A_26, %dma_start3A_27] : memref<10240x16xf32, #tpu.memory_space<vmem_shared>> -> memref<10240x16xf32, #tpu.memory_space<vmem_shared>>
        tpu.enqueue_indirect_dma source(%dma_start3A_28 : memref<10240x16xf32, #tpu.memory_space<vmem_shared>>) target(%arg9 : memref<128x16xf32, #tpu.memory_space<vmem>>) offsets(%dma_start3A_25 : memref<128xi32, #tpu.memory_space<vmem>>) semaphore(%run_scoped3A : memref<!tpu.dma_semaphore, #tpu.memory_space<semaphore_mem>>)
        %dma_wait3A = arith.constant 0 : i32
        %dma_wait3A_29 = tpu.memref_slice %arg7[%add3A_23, %dma_wait3A] : memref<79x128xi32, #tpu.memory_space<vmem>> -> memref<1x128xi32, #tpu.memory_space<vmem>>
        %dma_wait3A_30 = tpu.memref_squeeze %dma_wait3A_29 : memref<1x128xi32, #tpu.memory_space<vmem>> -> memref<128xi32, #tpu.memory_space<vmem>>
        %dma_wait3A_31 = arith.constant 0 : i32
        %dma_wait3A_32 = arith.constant 0 : i32
        %dma_wait3A_33 = tpu.memref_slice %arg11[%dma_wait3A_31, %dma_wait3A_32] : memref<10240x16xf32, #tpu.memory_space<vmem_shared>> -> memref<10240x16xf32, #tpu.memory_space<vmem_shared>>
        tpu.wait_indirect_dma semaphore(%run_scoped3A : memref<!tpu.dma_semaphore, #tpu.memory_space<semaphore_mem>>) src(%dma_wait3A_33 : memref<10240x16xf32, #tpu.memory_space<vmem_shared>>) dst(%arg9 : memref<128x16xf32, #tpu.memory_space<vmem>>)
        tpu.yield
      }) : () -> ()
      "tpu.region"() ({
        %run_scoped3A = tpu.sem_alloc : memref<!tpu.dma_semaphore, #tpu.memory_space<semaphore_mem>>
        %dma_start3A = arith.constant 0 : i32
        %dma_start3A_24 = tpu.memref_slice %arg8[%add3A_23, %dma_start3A] : memref<79x128xi32, #tpu.memory_space<vmem>> -> memref<1x128xi32, #tpu.memory_space<vmem>>
        %dma_start3A_25 = tpu.memref_squeeze %dma_start3A_24 : memref<1x128xi32, #tpu.memory_space<vmem>> -> memref<128xi32, #tpu.memory_space<vmem>>
        %dma_start3A_26 = arith.constant 0 : i32
        %dma_start3A_27 = arith.constant 0 : i32
        %dma_start3A_28 = tpu.memref_slice %arg12[%dma_start3A_26, %dma_start3A_27] : memref<10240x16xf32, #tpu.memory_space<vmem_shared>> -> memref<10240x16xf32, #tpu.memory_space<vmem_shared>>
        tpu.enqueue_indirect_dma source(%arg9 : memref<128x16xf32, #tpu.memory_space<vmem>>) target(%dma_start3A_28 : memref<10240x16xf32, #tpu.memory_space<vmem_shared>>) offsets(%dma_start3A_25 : memref<128xi32, #tpu.memory_space<vmem>>) semaphore(%run_scoped3A : memref<!tpu.dma_semaphore, #tpu.memory_space<semaphore_mem>>) {add = true}
        %dma_wait3A = arith.constant 0 : i32
        %dma_wait3A_29 = tpu.memref_slice %arg8[%add3A_23, %dma_wait3A] : memref<79x128xi32, #tpu.memory_space<vmem>> -> memref<1x128xi32, #tpu.memory_space<vmem>>
        %dma_wait3A_30 = tpu.memref_squeeze %dma_wait3A_29 : memref<1x128xi32, #tpu.memory_space<vmem>> -> memref<128xi32, #tpu.memory_space<vmem>>
        %dma_wait3A_31 = arith.constant 0 : i32
        %dma_wait3A_32 = arith.constant 0 : i32
        %dma_wait3A_33 = tpu.memref_slice %arg12[%dma_wait3A_31, %dma_wait3A_32] : memref<10240x16xf32, #tpu.memory_space<vmem_shared>> -> memref<10240x16xf32, #tpu.memory_space<vmem_shared>>
        tpu.wait_indirect_dma semaphore(%run_scoped3A : memref<!tpu.dma_semaphore, #tpu.memory_space<semaphore_mem>>) src(%arg9 : memref<128x16xf32, #tpu.memory_space<vmem>>) dst(%dma_wait3A_33 : memref<10240x16xf32, #tpu.memory_space<vmem_shared>>)
        tpu.yield
      }) : () -> ()
    }
    %scan3A_13 = arith.constant 79 : i32
    %barrier3A_14 = arith.constant 0 : index
    tpu.barrier barrier_id(%barrier3A_14)
    %mul3A_15 = arith.constant 640 : i32
    %mul3A_16 = arith.muli %arg1, %mul3A_15 : i32
    %mul3A_17 = arith.constant 640 : i32
    %mul3A_18 = arith.muli %arg1, %mul3A_17 : i32
    "tpu.region"() ({
      %run_scoped3A = tpu.sem_alloc : memref<!tpu.dma_semaphore, #tpu.memory_space<semaphore_mem>>
      %dma_start3A = arith.constant 0 : i32
      %dma_start3A_19 = tpu.memref_slice %arg6[%arg0, %mul3A_18, %dma_start3A] : memref<2x10240x16xf32, #tpu.memory_space<hbm>> -> memref<1x640x16xf32, #tpu.memory_space<hbm>>
      %dma_start3A_20 = tpu.memref_squeeze %dma_start3A_19 : memref<1x640x16xf32, #tpu.memory_space<hbm>> -> memref<640x16xf32, #tpu.memory_space<hbm>>
      %dma_start3A_21 = arith.constant 0 : i32
      %dma_start3A_22 = tpu.memref_slice %arg12[%mul3A_16, %dma_start3A_21] : memref<10240x16xf32, #tpu.memory_space<vmem_shared>> -> memref<640x16xf32, #tpu.memory_space<vmem_shared>>
      tpu.enqueue_dma source(%dma_start3A_22 : memref<640x16xf32, #tpu.memory_space<vmem_shared>>) target(%dma_start3A_20 : memref<640x16xf32, #tpu.memory_space<hbm>>) target_semaphore(%run_scoped3A : memref<!tpu.dma_semaphore, #tpu.memory_space<semaphore_mem>>)
      %dma_wait3A = arith.constant 0 : i32
      %dma_wait3A_23 = tpu.memref_slice %arg6[%arg0, %mul3A_18, %dma_wait3A] : memref<2x10240x16xf32, #tpu.memory_space<hbm>> -> memref<1x640x16xf32, #tpu.memory_space<hbm>>
      %dma_wait3A_24 = tpu.memref_squeeze %dma_wait3A_23 : memref<1x640x16xf32, #tpu.memory_space<hbm>> -> memref<640x16xf32, #tpu.memory_space<hbm>>
      %dma_wait3A_25 = arith.constant 0 : i32
      %dma_wait3A_26 = tpu.memref_slice %arg12[%mul3A_16, %dma_wait3A_25] : memref<10240x16xf32, #tpu.memory_space<vmem_shared>> -> memref<640x16xf32, #tpu.memory_space<vmem_shared>>
      tpu.wait_dma2 semaphore(%run_scoped3A : memref<!tpu.dma_semaphore, #tpu.memory_space<semaphore_mem>>) src(%dma_wait3A_26 : memref<640x16xf32, #tpu.memory_space<vmem_shared>>) dst(%dma_wait3A_24 : memref<640x16xf32, #tpu.memory_space<hbm>>)
      tpu.yield
    }) : () -> ()
    return
  }
}

#map = affine_map<(d0, d1) -> (0, 0)>
#map1 = affine_map<(d0, d1) -> (0, 0, 0)>
module attributes {stable_mosaic.version = 14 : i64} {
  func.func @agg(%arg0: i32, %arg1: i32, %arg2: memref<10240x32xf32, #tpu.memory_space<hbm>>, %arg3: memref<32x79x128xi32, #tpu.memory_space<hbm>>, %arg4: memref<32x79x128xi32, #tpu.memory_space<hbm>>, %arg5: memref<128x32xf32, #tpu.memory_space<hbm>>, %arg6: memref<2x10240x32xf32, #tpu.memory_space<hbm>>, %arg7: memref<79x128xi32, #tpu.memory_space<vmem>>, %arg8: memref<79x128xi32, #tpu.memory_space<vmem>>, %arg9: memref<128x32xf32, #tpu.memory_space<vmem>>, %arg10: memref<128x32xf32, #tpu.memory_space<vmem>>, %arg11: memref<10240x32xf32, #tpu.memory_space<vmem_shared>>, %arg12: memref<10240x32xf32, #tpu.memory_space<vmem_shared>>) attributes {dimension_semantics = [#tpu.dimension_semantics<core_parallel>, #tpu.dimension_semantics<subcore_parallel>], iteration_bounds = array<i64: 2, 16>, scalar_prefetch = 0 : i64, scratch_operands = 6 : i64, tpu.core_type = #tpu.core_type<sc_vector_subcore>, window_params = [{transform_indices = #map}, {transform_indices = #map1}, {transform_indices = #map1}, {transform_indices = #map}, {transform_indices = #map1}]} {
    %mul3A = arith.constant 2 : i32
    %mul3A_0 = arith.muli %arg1, %mul3A : i32
    %add3A = arith.addi %mul3A_0, %arg0 : i32
    "tpu.region"() ({
      %run_scoped3A = tpu.sem_alloc : memref<!tpu.dma_semaphore, #tpu.memory_space<semaphore_mem>>
      tpu.enqueue_dma source(%arg5 : memref<128x32xf32, #tpu.memory_space<hbm>>) target(%arg10 : memref<128x32xf32, #tpu.memory_space<vmem>>) target_semaphore(%run_scoped3A : memref<!tpu.dma_semaphore, #tpu.memory_space<semaphore_mem>>)
      tpu.wait_dma2 semaphore(%run_scoped3A : memref<!tpu.dma_semaphore, #tpu.memory_space<semaphore_mem>>) src(%arg5 : memref<128x32xf32, #tpu.memory_space<hbm>>) dst(%arg10 : memref<128x32xf32, #tpu.memory_space<vmem>>)
      tpu.yield
    }) : () -> ()
    %mul3A_1 = arith.constant 640 : i32
    %mul3A_2 = arith.muli %arg1, %mul3A_1 : i32
    %mul3A_3 = arith.constant 640 : i32
    %mul3A_4 = arith.muli %arg1, %mul3A_3 : i32
    "tpu.region"() ({
      %run_scoped3A = tpu.sem_alloc : memref<!tpu.dma_semaphore, #tpu.memory_space<semaphore_mem>>
      %dma_start3A = arith.constant 0 : i32
      %dma_start3A_19 = tpu.memref_slice %arg11[%mul3A_4, %dma_start3A] : memref<10240x32xf32, #tpu.memory_space<vmem_shared>> -> memref<640x32xf32, #tpu.memory_space<vmem_shared>>
      %dma_start3A_20 = arith.constant 0 : i32
      %dma_start3A_21 = tpu.memref_slice %arg2[%mul3A_2, %dma_start3A_20] : memref<10240x32xf32, #tpu.memory_space<hbm>> -> memref<640x32xf32, #tpu.memory_space<hbm>>
      tpu.enqueue_dma source(%dma_start3A_21 : memref<640x32xf32, #tpu.memory_space<hbm>>) target(%dma_start3A_19 : memref<640x32xf32, #tpu.memory_space<vmem_shared>>) target_semaphore(%run_scoped3A : memref<!tpu.dma_semaphore, #tpu.memory_space<semaphore_mem>>)
      %dma_wait3A = arith.constant 0 : i32
      %dma_wait3A_22 = tpu.memref_slice %arg11[%mul3A_4, %dma_wait3A] : memref<10240x32xf32, #tpu.memory_space<vmem_shared>> -> memref<640x32xf32, #tpu.memory_space<vmem_shared>>
      %dma_wait3A_23 = arith.constant 0 : i32
      %dma_wait3A_24 = tpu.memref_slice %arg2[%mul3A_2, %dma_wait3A_23] : memref<10240x32xf32, #tpu.memory_space<hbm>> -> memref<640x32xf32, #tpu.memory_space<hbm>>
      tpu.wait_dma2 semaphore(%run_scoped3A : memref<!tpu.dma_semaphore, #tpu.memory_space<semaphore_mem>>) src(%dma_wait3A_24 : memref<640x32xf32, #tpu.memory_space<hbm>>) dst(%dma_wait3A_22 : memref<640x32xf32, #tpu.memory_space<vmem_shared>>)
      tpu.yield
    }) : () -> ()
    "tpu.region"() ({
      %run_scoped3A = tpu.sem_alloc : memref<!tpu.dma_semaphore, #tpu.memory_space<semaphore_mem>>
      %dma_start3A = arith.constant 0 : i32
      %dma_start3A_19 = arith.constant 0 : i32
      %dma_start3A_20 = tpu.memref_slice %arg3[%add3A, %dma_start3A, %dma_start3A_19] : memref<32x79x128xi32, #tpu.memory_space<hbm>> -> memref<1x79x128xi32, #tpu.memory_space<hbm>>
      %dma_start3A_21 = tpu.memref_squeeze %dma_start3A_20 : memref<1x79x128xi32, #tpu.memory_space<hbm>> -> memref<79x128xi32, #tpu.memory_space<hbm>>
      %dma_start3A_22 = arith.constant 0 : i32
      %dma_start3A_23 = arith.constant 0 : i32
      %dma_start3A_24 = tpu.memref_slice %arg3[%add3A, %dma_start3A_22, %dma_start3A_23] : memref<32x79x128xi32, #tpu.memory_space<hbm>> -> memref<1x79x128xi32, #tpu.memory_space<hbm>>
      %dma_start3A_25 = tpu.memref_squeeze %dma_start3A_24 : memref<1x79x128xi32, #tpu.memory_space<hbm>> -> memref<79x128xi32, #tpu.memory_space<hbm>>
      tpu.enqueue_dma source(%dma_start3A_25 : memref<79x128xi32, #tpu.memory_space<hbm>>) target(%arg7 : memref<79x128xi32, #tpu.memory_space<vmem>>) target_semaphore(%run_scoped3A : memref<!tpu.dma_semaphore, #tpu.memory_space<semaphore_mem>>)
      %dma_wait3A = arith.constant 0 : i32
      %dma_wait3A_26 = arith.constant 0 : i32
      %dma_wait3A_27 = tpu.memref_slice %arg3[%add3A, %dma_wait3A, %dma_wait3A_26] : memref<32x79x128xi32, #tpu.memory_space<hbm>> -> memref<1x79x128xi32, #tpu.memory_space<hbm>>
      %dma_wait3A_28 = tpu.memref_squeeze %dma_wait3A_27 : memref<1x79x128xi32, #tpu.memory_space<hbm>> -> memref<79x128xi32, #tpu.memory_space<hbm>>
      %dma_wait3A_29 = arith.constant 0 : i32
      %dma_wait3A_30 = arith.constant 0 : i32
      %dma_wait3A_31 = tpu.memref_slice %arg3[%add3A, %dma_wait3A_29, %dma_wait3A_30] : memref<32x79x128xi32, #tpu.memory_space<hbm>> -> memref<1x79x128xi32, #tpu.memory_space<hbm>>
      %dma_wait3A_32 = tpu.memref_squeeze %dma_wait3A_31 : memref<1x79x128xi32, #tpu.memory_space<hbm>> -> memref<79x128xi32, #tpu.memory_space<hbm>>
      tpu.wait_dma2 semaphore(%run_scoped3A : memref<!tpu.dma_semaphore, #tpu.memory_space<semaphore_mem>>) src(%dma_wait3A_32 : memref<79x128xi32, #tpu.memory_space<hbm>>) dst(%arg7 : memref<79x128xi32, #tpu.memory_space<vmem>>)
      tpu.yield
    }) : () -> ()
    "tpu.region"() ({
      %run_scoped3A = tpu.sem_alloc : memref<!tpu.dma_semaphore, #tpu.memory_space<semaphore_mem>>
      %dma_start3A = arith.constant 0 : i32
      %dma_start3A_19 = arith.constant 0 : i32
      %dma_start3A_20 = tpu.memref_slice %arg4[%add3A, %dma_start3A, %dma_start3A_19] : memref<32x79x128xi32, #tpu.memory_space<hbm>> -> memref<1x79x128xi32, #tpu.memory_space<hbm>>
      %dma_start3A_21 = tpu.memref_squeeze %dma_start3A_20 : memref<1x79x128xi32, #tpu.memory_space<hbm>> -> memref<79x128xi32, #tpu.memory_space<hbm>>
      %dma_start3A_22 = arith.constant 0 : i32
      %dma_start3A_23 = arith.constant 0 : i32
      %dma_start3A_24 = tpu.memref_slice %arg4[%add3A, %dma_start3A_22, %dma_start3A_23] : memref<32x79x128xi32, #tpu.memory_space<hbm>> -> memref<1x79x128xi32, #tpu.memory_space<hbm>>
      %dma_start3A_25 = tpu.memref_squeeze %dma_start3A_24 : memref<1x79x128xi32, #tpu.memory_space<hbm>> -> memref<79x128xi32, #tpu.memory_space<hbm>>
      tpu.enqueue_dma source(%dma_start3A_25 : memref<79x128xi32, #tpu.memory_space<hbm>>) target(%arg8 : memref<79x128xi32, #tpu.memory_space<vmem>>) target_semaphore(%run_scoped3A : memref<!tpu.dma_semaphore, #tpu.memory_space<semaphore_mem>>)
      %dma_wait3A = arith.constant 0 : i32
      %dma_wait3A_26 = arith.constant 0 : i32
      %dma_wait3A_27 = tpu.memref_slice %arg4[%add3A, %dma_wait3A, %dma_wait3A_26] : memref<32x79x128xi32, #tpu.memory_space<hbm>> -> memref<1x79x128xi32, #tpu.memory_space<hbm>>
      %dma_wait3A_28 = tpu.memref_squeeze %dma_wait3A_27 : memref<1x79x128xi32, #tpu.memory_space<hbm>> -> memref<79x128xi32, #tpu.memory_space<hbm>>
      %dma_wait3A_29 = arith.constant 0 : i32
      %dma_wait3A_30 = arith.constant 0 : i32
      %dma_wait3A_31 = tpu.memref_slice %arg4[%add3A, %dma_wait3A_29, %dma_wait3A_30] : memref<32x79x128xi32, #tpu.memory_space<hbm>> -> memref<1x79x128xi32, #tpu.memory_space<hbm>>
      %dma_wait3A_32 = tpu.memref_squeeze %dma_wait3A_31 : memref<1x79x128xi32, #tpu.memory_space<hbm>> -> memref<79x128xi32, #tpu.memory_space<hbm>>
      tpu.wait_dma2 semaphore(%run_scoped3A : memref<!tpu.dma_semaphore, #tpu.memory_space<semaphore_mem>>) src(%dma_wait3A_32 : memref<79x128xi32, #tpu.memory_space<hbm>>) dst(%arg8 : memref<79x128xi32, #tpu.memory_space<vmem>>)
      tpu.yield
    }) : () -> ()
    %scan3A = arith.constant 0 : i32
    %scan3A_5 = arith.constant 5 : i32
    %scan3A_6 = arith.addi %scan3A, %scan3A_5 : i32
    %scan3A_7 = arith.constant 1 : i32
    scf.for %scan3A_19 = %scan3A to %scan3A_6 step %scan3A_7  : i32 {
      %mul3A_20 = arith.constant 1 : i32
      %mul3A_21 = arith.muli %scan3A_19, %mul3A_20 : i32
      %add3A_22 = arith.constant 0 : i32
      %add3A_23 = arith.addi %add3A_22, %mul3A_21 : i32
      %mul3A_24 = arith.constant 640 : i32
      %mul3A_25 = arith.muli %arg1, %mul3A_24 : i32
      %mul3A_26 = arith.constant 128 : i32
      %mul3A_27 = arith.muli %add3A_23, %mul3A_26 : i32
      %add3A_28 = arith.addi %mul3A_25, %mul3A_27 : i32
      "tpu.region"() ({
        %run_scoped3A = tpu.sem_alloc : memref<!tpu.dma_semaphore, #tpu.memory_space<semaphore_mem>>
        %dma_start3A = arith.constant 0 : i32
        %dma_start3A_29 = tpu.memref_slice %arg12[%add3A_28, %dma_start3A] : memref<10240x32xf32, #tpu.memory_space<vmem_shared>> -> memref<128x32xf32, #tpu.memory_space<vmem_shared>>
        %dma_start3A_30 = arith.constant 0 : i32
        %dma_start3A_31 = tpu.memref_slice %arg12[%add3A_28, %dma_start3A_30] : memref<10240x32xf32, #tpu.memory_space<vmem_shared>> -> memref<128x32xf32, #tpu.memory_space<vmem_shared>>
        tpu.enqueue_dma source(%arg10 : memref<128x32xf32, #tpu.memory_space<vmem>>) target(%dma_start3A_31 : memref<128x32xf32, #tpu.memory_space<vmem_shared>>) target_semaphore(%run_scoped3A : memref<!tpu.dma_semaphore, #tpu.memory_space<semaphore_mem>>)
        %dma_wait3A = arith.constant 0 : i32
        %dma_wait3A_32 = tpu.memref_slice %arg12[%add3A_28, %dma_wait3A] : memref<10240x32xf32, #tpu.memory_space<vmem_shared>> -> memref<128x32xf32, #tpu.memory_space<vmem_shared>>
        %dma_wait3A_33 = arith.constant 0 : i32
        %dma_wait3A_34 = tpu.memref_slice %arg12[%add3A_28, %dma_wait3A_33] : memref<10240x32xf32, #tpu.memory_space<vmem_shared>> -> memref<128x32xf32, #tpu.memory_space<vmem_shared>>
        tpu.wait_dma2 semaphore(%run_scoped3A : memref<!tpu.dma_semaphore, #tpu.memory_space<semaphore_mem>>) src(%arg10 : memref<128x32xf32, #tpu.memory_space<vmem>>) dst(%dma_wait3A_34 : memref<128x32xf32, #tpu.memory_space<vmem_shared>>)
        tpu.yield
      }) : () -> ()
    }
    %scan3A_8 = arith.constant 5 : i32
    %barrier3A = arith.constant 0 : index
    tpu.barrier barrier_id(%barrier3A)
    %scan3A_9 = arith.constant 0 : i32
    %scan3A_10 = arith.constant 79 : i32
    %scan3A_11 = arith.addi %scan3A_9, %scan3A_10 : i32
    %scan3A_12 = arith.constant 1 : i32
    scf.for %scan3A_19 = %scan3A_9 to %scan3A_11 step %scan3A_12  : i32 {
      %mul3A_20 = arith.constant 1 : i32
      %mul3A_21 = arith.muli %scan3A_19, %mul3A_20 : i32
      %add3A_22 = arith.constant 0 : i32
      %add3A_23 = arith.addi %add3A_22, %mul3A_21 : i32
      "tpu.region"() ({
        %run_scoped3A = tpu.sem_alloc : memref<!tpu.dma_semaphore, #tpu.memory_space<semaphore_mem>>
        %dma_start3A = arith.constant 0 : i32
        %dma_start3A_24 = tpu.memref_slice %arg7[%add3A_23, %dma_start3A] : memref<79x128xi32, #tpu.memory_space<vmem>> -> memref<1x128xi32, #tpu.memory_space<vmem>>
        %dma_start3A_25 = tpu.memref_squeeze %dma_start3A_24 : memref<1x128xi32, #tpu.memory_space<vmem>> -> memref<128xi32, #tpu.memory_space<vmem>>
        %dma_start3A_26 = arith.constant 0 : i32
        %dma_start3A_27 = arith.constant 0 : i32
        %dma_start3A_28 = tpu.memref_slice %arg11[%dma_start3A_26, %dma_start3A_27] : memref<10240x32xf32, #tpu.memory_space<vmem_shared>> -> memref<10240x32xf32, #tpu.memory_space<vmem_shared>>
        tpu.enqueue_indirect_dma source(%dma_start3A_28 : memref<10240x32xf32, #tpu.memory_space<vmem_shared>>) target(%arg9 : memref<128x32xf32, #tpu.memory_space<vmem>>) offsets(%dma_start3A_25 : memref<128xi32, #tpu.memory_space<vmem>>) semaphore(%run_scoped3A : memref<!tpu.dma_semaphore, #tpu.memory_space<semaphore_mem>>)
        %dma_wait3A = arith.constant 0 : i32
        %dma_wait3A_29 = tpu.memref_slice %arg7[%add3A_23, %dma_wait3A] : memref<79x128xi32, #tpu.memory_space<vmem>> -> memref<1x128xi32, #tpu.memory_space<vmem>>
        %dma_wait3A_30 = tpu.memref_squeeze %dma_wait3A_29 : memref<1x128xi32, #tpu.memory_space<vmem>> -> memref<128xi32, #tpu.memory_space<vmem>>
        %dma_wait3A_31 = arith.constant 0 : i32
        %dma_wait3A_32 = arith.constant 0 : i32
        %dma_wait3A_33 = tpu.memref_slice %arg11[%dma_wait3A_31, %dma_wait3A_32] : memref<10240x32xf32, #tpu.memory_space<vmem_shared>> -> memref<10240x32xf32, #tpu.memory_space<vmem_shared>>
        tpu.wait_indirect_dma semaphore(%run_scoped3A : memref<!tpu.dma_semaphore, #tpu.memory_space<semaphore_mem>>) src(%dma_wait3A_33 : memref<10240x32xf32, #tpu.memory_space<vmem_shared>>) dst(%arg9 : memref<128x32xf32, #tpu.memory_space<vmem>>)
        tpu.yield
      }) : () -> ()
      "tpu.region"() ({
        %run_scoped3A = tpu.sem_alloc : memref<!tpu.dma_semaphore, #tpu.memory_space<semaphore_mem>>
        %dma_start3A = arith.constant 0 : i32
        %dma_start3A_24 = tpu.memref_slice %arg8[%add3A_23, %dma_start3A] : memref<79x128xi32, #tpu.memory_space<vmem>> -> memref<1x128xi32, #tpu.memory_space<vmem>>
        %dma_start3A_25 = tpu.memref_squeeze %dma_start3A_24 : memref<1x128xi32, #tpu.memory_space<vmem>> -> memref<128xi32, #tpu.memory_space<vmem>>
        %dma_start3A_26 = arith.constant 0 : i32
        %dma_start3A_27 = arith.constant 0 : i32
        %dma_start3A_28 = tpu.memref_slice %arg12[%dma_start3A_26, %dma_start3A_27] : memref<10240x32xf32, #tpu.memory_space<vmem_shared>> -> memref<10240x32xf32, #tpu.memory_space<vmem_shared>>
        tpu.enqueue_indirect_dma source(%arg9 : memref<128x32xf32, #tpu.memory_space<vmem>>) target(%dma_start3A_28 : memref<10240x32xf32, #tpu.memory_space<vmem_shared>>) offsets(%dma_start3A_25 : memref<128xi32, #tpu.memory_space<vmem>>) semaphore(%run_scoped3A : memref<!tpu.dma_semaphore, #tpu.memory_space<semaphore_mem>>) {add = true}
        %dma_wait3A = arith.constant 0 : i32
        %dma_wait3A_29 = tpu.memref_slice %arg8[%add3A_23, %dma_wait3A] : memref<79x128xi32, #tpu.memory_space<vmem>> -> memref<1x128xi32, #tpu.memory_space<vmem>>
        %dma_wait3A_30 = tpu.memref_squeeze %dma_wait3A_29 : memref<1x128xi32, #tpu.memory_space<vmem>> -> memref<128xi32, #tpu.memory_space<vmem>>
        %dma_wait3A_31 = arith.constant 0 : i32
        %dma_wait3A_32 = arith.constant 0 : i32
        %dma_wait3A_33 = tpu.memref_slice %arg12[%dma_wait3A_31, %dma_wait3A_32] : memref<10240x32xf32, #tpu.memory_space<vmem_shared>> -> memref<10240x32xf32, #tpu.memory_space<vmem_shared>>
        tpu.wait_indirect_dma semaphore(%run_scoped3A : memref<!tpu.dma_semaphore, #tpu.memory_space<semaphore_mem>>) src(%arg9 : memref<128x32xf32, #tpu.memory_space<vmem>>) dst(%dma_wait3A_33 : memref<10240x32xf32, #tpu.memory_space<vmem_shared>>)
        tpu.yield
      }) : () -> ()
    }
    %scan3A_13 = arith.constant 79 : i32
    %barrier3A_14 = arith.constant 0 : index
    tpu.barrier barrier_id(%barrier3A_14)
    %mul3A_15 = arith.constant 640 : i32
    %mul3A_16 = arith.muli %arg1, %mul3A_15 : i32
    %mul3A_17 = arith.constant 640 : i32
    %mul3A_18 = arith.muli %arg1, %mul3A_17 : i32
    "tpu.region"() ({
      %run_scoped3A = tpu.sem_alloc : memref<!tpu.dma_semaphore, #tpu.memory_space<semaphore_mem>>
      %dma_start3A = arith.constant 0 : i32
      %dma_start3A_19 = tpu.memref_slice %arg6[%arg0, %mul3A_18, %dma_start3A] : memref<2x10240x32xf32, #tpu.memory_space<hbm>> -> memref<1x640x32xf32, #tpu.memory_space<hbm>>
      %dma_start3A_20 = tpu.memref_squeeze %dma_start3A_19 : memref<1x640x32xf32, #tpu.memory_space<hbm>> -> memref<640x32xf32, #tpu.memory_space<hbm>>
      %dma_start3A_21 = arith.constant 0 : i32
      %dma_start3A_22 = tpu.memref_slice %arg12[%mul3A_16, %dma_start3A_21] : memref<10240x32xf32, #tpu.memory_space<vmem_shared>> -> memref<640x32xf32, #tpu.memory_space<vmem_shared>>
      tpu.enqueue_dma source(%dma_start3A_22 : memref<640x32xf32, #tpu.memory_space<vmem_shared>>) target(%dma_start3A_20 : memref<640x32xf32, #tpu.memory_space<hbm>>) target_semaphore(%run_scoped3A : memref<!tpu.dma_semaphore, #tpu.memory_space<semaphore_mem>>)
      %dma_wait3A = arith.constant 0 : i32
      %dma_wait3A_23 = tpu.memref_slice %arg6[%arg0, %mul3A_18, %dma_wait3A] : memref<2x10240x32xf32, #tpu.memory_space<hbm>> -> memref<1x640x32xf32, #tpu.memory_space<hbm>>
      %dma_wait3A_24 = tpu.memref_squeeze %dma_wait3A_23 : memref<1x640x32xf32, #tpu.memory_space<hbm>> -> memref<640x32xf32, #tpu.memory_space<hbm>>
      %dma_wait3A_25 = arith.constant 0 : i32
      %dma_wait3A_26 = tpu.memref_slice %arg12[%mul3A_16, %dma_wait3A_25] : memref<10240x32xf32, #tpu.memory_space<vmem_shared>> -> memref<640x32xf32, #tpu.memory_space<vmem_shared>>
      tpu.wait_dma2 semaphore(%run_scoped3A : memref<!tpu.dma_semaphore, #tpu.memory_space<semaphore_mem>>) src(%dma_wait3A_26 : memref<640x32xf32, #tpu.memory_space<vmem_shared>>) dst(%dma_wait3A_24 : memref<640x32xf32, #tpu.memory_space<hbm>>)
      tpu.yield
    }) : () -> ()
    return
  }
}

#map = affine_map<(d0, d1) -> (0, 0)>
#map1 = affine_map<(d0, d1) -> (0, 0, 0)>
module attributes {stable_mosaic.version = 14 : i64} {
  func.func @agg(%arg0: i32, %arg1: i32, %arg2: memref<10240x16xf32, #tpu.memory_space<hbm>>, %arg3: memref<32x79x128xi32, #tpu.memory_space<hbm>>, %arg4: memref<32x79x128xi32, #tpu.memory_space<hbm>>, %arg5: memref<128x16xf32, #tpu.memory_space<hbm>>, %arg6: memref<2x10240x16xf32, #tpu.memory_space<hbm>>, %arg7: memref<79x128xi32, #tpu.memory_space<vmem>>, %arg8: memref<79x128xi32, #tpu.memory_space<vmem>>, %arg9: memref<128x16xf32, #tpu.memory_space<vmem>>, %arg10: memref<128x16xf32, #tpu.memory_space<vmem>>, %arg11: memref<10240x16xf32, #tpu.memory_space<vmem_shared>>, %arg12: memref<10240x16xf32, #tpu.memory_space<vmem_shared>>) attributes {dimension_semantics = [#tpu.dimension_semantics<core_parallel>, #tpu.dimension_semantics<subcore_parallel>], iteration_bounds = array<i64: 2, 16>, scalar_prefetch = 0 : i64, scratch_operands = 6 : i64, tpu.core_type = #tpu.core_type<sc_vector_subcore>, window_params = [{transform_indices = #map}, {transform_indices = #map1}, {transform_indices = #map1}, {transform_indices = #map}, {transform_indices = #map1}]} {
    %mul3A = arith.constant 2 : i32
    %mul3A_0 = arith.muli %arg1, %mul3A : i32
    %add3A = arith.addi %mul3A_0, %arg0 : i32
    "tpu.region"() ({
      %run_scoped3A = tpu.sem_alloc : memref<!tpu.dma_semaphore, #tpu.memory_space<semaphore_mem>>
      tpu.enqueue_dma source(%arg5 : memref<128x16xf32, #tpu.memory_space<hbm>>) target(%arg10 : memref<128x16xf32, #tpu.memory_space<vmem>>) target_semaphore(%run_scoped3A : memref<!tpu.dma_semaphore, #tpu.memory_space<semaphore_mem>>)
      tpu.wait_dma2 semaphore(%run_scoped3A : memref<!tpu.dma_semaphore, #tpu.memory_space<semaphore_mem>>) src(%arg5 : memref<128x16xf32, #tpu.memory_space<hbm>>) dst(%arg10 : memref<128x16xf32, #tpu.memory_space<vmem>>)
      tpu.yield
    }) : () -> ()
    %mul3A_1 = arith.constant 640 : i32
    %mul3A_2 = arith.muli %arg1, %mul3A_1 : i32
    %mul3A_3 = arith.constant 640 : i32
    %mul3A_4 = arith.muli %arg1, %mul3A_3 : i32
    "tpu.region"() ({
      %run_scoped3A = tpu.sem_alloc : memref<!tpu.dma_semaphore, #tpu.memory_space<semaphore_mem>>
      %dma_start3A = arith.constant 0 : i32
      %dma_start3A_19 = tpu.memref_slice %arg11[%mul3A_4, %dma_start3A] : memref<10240x16xf32, #tpu.memory_space<vmem_shared>> -> memref<640x16xf32, #tpu.memory_space<vmem_shared>>
      %dma_start3A_20 = arith.constant 0 : i32
      %dma_start3A_21 = tpu.memref_slice %arg2[%mul3A_2, %dma_start3A_20] : memref<10240x16xf32, #tpu.memory_space<hbm>> -> memref<640x16xf32, #tpu.memory_space<hbm>>
      tpu.enqueue_dma source(%dma_start3A_21 : memref<640x16xf32, #tpu.memory_space<hbm>>) target(%dma_start3A_19 : memref<640x16xf32, #tpu.memory_space<vmem_shared>>) target_semaphore(%run_scoped3A : memref<!tpu.dma_semaphore, #tpu.memory_space<semaphore_mem>>)
      %dma_wait3A = arith.constant 0 : i32
      %dma_wait3A_22 = tpu.memref_slice %arg11[%mul3A_4, %dma_wait3A] : memref<10240x16xf32, #tpu.memory_space<vmem_shared>> -> memref<640x16xf32, #tpu.memory_space<vmem_shared>>
      %dma_wait3A_23 = arith.constant 0 : i32
      %dma_wait3A_24 = tpu.memref_slice %arg2[%mul3A_2, %dma_wait3A_23] : memref<10240x16xf32, #tpu.memory_space<hbm>> -> memref<640x16xf32, #tpu.memory_space<hbm>>
      tpu.wait_dma2 semaphore(%run_scoped3A : memref<!tpu.dma_semaphore, #tpu.memory_space<semaphore_mem>>) src(%dma_wait3A_24 : memref<640x16xf32, #tpu.memory_space<hbm>>) dst(%dma_wait3A_22 : memref<640x16xf32, #tpu.memory_space<vmem_shared>>)
      tpu.yield
    }) : () -> ()
    "tpu.region"() ({
      %run_scoped3A = tpu.sem_alloc : memref<!tpu.dma_semaphore, #tpu.memory_space<semaphore_mem>>
      %dma_start3A = arith.constant 0 : i32
      %dma_start3A_19 = arith.constant 0 : i32
      %dma_start3A_20 = tpu.memref_slice %arg3[%add3A, %dma_start3A, %dma_start3A_19] : memref<32x79x128xi32, #tpu.memory_space<hbm>> -> memref<1x79x128xi32, #tpu.memory_space<hbm>>
      %dma_start3A_21 = tpu.memref_squeeze %dma_start3A_20 : memref<1x79x128xi32, #tpu.memory_space<hbm>> -> memref<79x128xi32, #tpu.memory_space<hbm>>
      %dma_start3A_22 = arith.constant 0 : i32
      %dma_start3A_23 = arith.constant 0 : i32
      %dma_start3A_24 = tpu.memref_slice %arg3[%add3A, %dma_start3A_22, %dma_start3A_23] : memref<32x79x128xi32, #tpu.memory_space<hbm>> -> memref<1x79x128xi32, #tpu.memory_space<hbm>>
      %dma_start3A_25 = tpu.memref_squeeze %dma_start3A_24 : memref<1x79x128xi32, #tpu.memory_space<hbm>> -> memref<79x128xi32, #tpu.memory_space<hbm>>
      tpu.enqueue_dma source(%dma_start3A_25 : memref<79x128xi32, #tpu.memory_space<hbm>>) target(%arg7 : memref<79x128xi32, #tpu.memory_space<vmem>>) target_semaphore(%run_scoped3A : memref<!tpu.dma_semaphore, #tpu.memory_space<semaphore_mem>>)
      %dma_wait3A = arith.constant 0 : i32
      %dma_wait3A_26 = arith.constant 0 : i32
      %dma_wait3A_27 = tpu.memref_slice %arg3[%add3A, %dma_wait3A, %dma_wait3A_26] : memref<32x79x128xi32, #tpu.memory_space<hbm>> -> memref<1x79x128xi32, #tpu.memory_space<hbm>>
      %dma_wait3A_28 = tpu.memref_squeeze %dma_wait3A_27 : memref<1x79x128xi32, #tpu.memory_space<hbm>> -> memref<79x128xi32, #tpu.memory_space<hbm>>
      %dma_wait3A_29 = arith.constant 0 : i32
      %dma_wait3A_30 = arith.constant 0 : i32
      %dma_wait3A_31 = tpu.memref_slice %arg3[%add3A, %dma_wait3A_29, %dma_wait3A_30] : memref<32x79x128xi32, #tpu.memory_space<hbm>> -> memref<1x79x128xi32, #tpu.memory_space<hbm>>
      %dma_wait3A_32 = tpu.memref_squeeze %dma_wait3A_31 : memref<1x79x128xi32, #tpu.memory_space<hbm>> -> memref<79x128xi32, #tpu.memory_space<hbm>>
      tpu.wait_dma2 semaphore(%run_scoped3A : memref<!tpu.dma_semaphore, #tpu.memory_space<semaphore_mem>>) src(%dma_wait3A_32 : memref<79x128xi32, #tpu.memory_space<hbm>>) dst(%arg7 : memref<79x128xi32, #tpu.memory_space<vmem>>)
      tpu.yield
    }) : () -> ()
    "tpu.region"() ({
      %run_scoped3A = tpu.sem_alloc : memref<!tpu.dma_semaphore, #tpu.memory_space<semaphore_mem>>
      %dma_start3A = arith.constant 0 : i32
      %dma_start3A_19 = arith.constant 0 : i32
      %dma_start3A_20 = tpu.memref_slice %arg4[%add3A, %dma_start3A, %dma_start3A_19] : memref<32x79x128xi32, #tpu.memory_space<hbm>> -> memref<1x79x128xi32, #tpu.memory_space<hbm>>
      %dma_start3A_21 = tpu.memref_squeeze %dma_start3A_20 : memref<1x79x128xi32, #tpu.memory_space<hbm>> -> memref<79x128xi32, #tpu.memory_space<hbm>>
      %dma_start3A_22 = arith.constant 0 : i32
      %dma_start3A_23 = arith.constant 0 : i32
      %dma_start3A_24 = tpu.memref_slice %arg4[%add3A, %dma_start3A_22, %dma_start3A_23] : memref<32x79x128xi32, #tpu.memory_space<hbm>> -> memref<1x79x128xi32, #tpu.memory_space<hbm>>
      %dma_start3A_25 = tpu.memref_squeeze %dma_start3A_24 : memref<1x79x128xi32, #tpu.memory_space<hbm>> -> memref<79x128xi32, #tpu.memory_space<hbm>>
      tpu.enqueue_dma source(%dma_start3A_25 : memref<79x128xi32, #tpu.memory_space<hbm>>) target(%arg8 : memref<79x128xi32, #tpu.memory_space<vmem>>) target_semaphore(%run_scoped3A : memref<!tpu.dma_semaphore, #tpu.memory_space<semaphore_mem>>)
      %dma_wait3A = arith.constant 0 : i32
      %dma_wait3A_26 = arith.constant 0 : i32
      %dma_wait3A_27 = tpu.memref_slice %arg4[%add3A, %dma_wait3A, %dma_wait3A_26] : memref<32x79x128xi32, #tpu.memory_space<hbm>> -> memref<1x79x128xi32, #tpu.memory_space<hbm>>
      %dma_wait3A_28 = tpu.memref_squeeze %dma_wait3A_27 : memref<1x79x128xi32, #tpu.memory_space<hbm>> -> memref<79x128xi32, #tpu.memory_space<hbm>>
      %dma_wait3A_29 = arith.constant 0 : i32
      %dma_wait3A_30 = arith.constant 0 : i32
      %dma_wait3A_31 = tpu.memref_slice %arg4[%add3A, %dma_wait3A_29, %dma_wait3A_30] : memref<32x79x128xi32, #tpu.memory_space<hbm>> -> memref<1x79x128xi32, #tpu.memory_space<hbm>>
      %dma_wait3A_32 = tpu.memref_squeeze %dma_wait3A_31 : memref<1x79x128xi32, #tpu.memory_space<hbm>> -> memref<79x128xi32, #tpu.memory_space<hbm>>
      tpu.wait_dma2 semaphore(%run_scoped3A : memref<!tpu.dma_semaphore, #tpu.memory_space<semaphore_mem>>) src(%dma_wait3A_32 : memref<79x128xi32, #tpu.memory_space<hbm>>) dst(%arg8 : memref<79x128xi32, #tpu.memory_space<vmem>>)
      tpu.yield
    }) : () -> ()
    %scan3A = arith.constant 0 : i32
    %scan3A_5 = arith.constant 5 : i32
    %scan3A_6 = arith.addi %scan3A, %scan3A_5 : i32
    %scan3A_7 = arith.constant 1 : i32
    scf.for %scan3A_19 = %scan3A to %scan3A_6 step %scan3A_7  : i32 {
      %mul3A_20 = arith.constant 1 : i32
      %mul3A_21 = arith.muli %scan3A_19, %mul3A_20 : i32
      %add3A_22 = arith.constant 0 : i32
      %add3A_23 = arith.addi %add3A_22, %mul3A_21 : i32
      %mul3A_24 = arith.constant 640 : i32
      %mul3A_25 = arith.muli %arg1, %mul3A_24 : i32
      %mul3A_26 = arith.constant 128 : i32
      %mul3A_27 = arith.muli %add3A_23, %mul3A_26 : i32
      %add3A_28 = arith.addi %mul3A_25, %mul3A_27 : i32
      "tpu.region"() ({
        %run_scoped3A = tpu.sem_alloc : memref<!tpu.dma_semaphore, #tpu.memory_space<semaphore_mem>>
        %dma_start3A = arith.constant 0 : i32
        %dma_start3A_29 = tpu.memref_slice %arg12[%add3A_28, %dma_start3A] : memref<10240x16xf32, #tpu.memory_space<vmem_shared>> -> memref<128x16xf32, #tpu.memory_space<vmem_shared>>
        %dma_start3A_30 = arith.constant 0 : i32
        %dma_start3A_31 = tpu.memref_slice %arg12[%add3A_28, %dma_start3A_30] : memref<10240x16xf32, #tpu.memory_space<vmem_shared>> -> memref<128x16xf32, #tpu.memory_space<vmem_shared>>
        tpu.enqueue_dma source(%arg10 : memref<128x16xf32, #tpu.memory_space<vmem>>) target(%dma_start3A_31 : memref<128x16xf32, #tpu.memory_space<vmem_shared>>) target_semaphore(%run_scoped3A : memref<!tpu.dma_semaphore, #tpu.memory_space<semaphore_mem>>)
        %dma_wait3A = arith.constant 0 : i32
        %dma_wait3A_32 = tpu.memref_slice %arg12[%add3A_28, %dma_wait3A] : memref<10240x16xf32, #tpu.memory_space<vmem_shared>> -> memref<128x16xf32, #tpu.memory_space<vmem_shared>>
        %dma_wait3A_33 = arith.constant 0 : i32
        %dma_wait3A_34 = tpu.memref_slice %arg12[%add3A_28, %dma_wait3A_33] : memref<10240x16xf32, #tpu.memory_space<vmem_shared>> -> memref<128x16xf32, #tpu.memory_space<vmem_shared>>
        tpu.wait_dma2 semaphore(%run_scoped3A : memref<!tpu.dma_semaphore, #tpu.memory_space<semaphore_mem>>) src(%arg10 : memref<128x16xf32, #tpu.memory_space<vmem>>) dst(%dma_wait3A_34 : memref<128x16xf32, #tpu.memory_space<vmem_shared>>)
        tpu.yield
      }) : () -> ()
    }
    %scan3A_8 = arith.constant 5 : i32
    %barrier3A = arith.constant 0 : index
    tpu.barrier barrier_id(%barrier3A)
    %scan3A_9 = arith.constant 0 : i32
    %scan3A_10 = arith.constant 79 : i32
    %scan3A_11 = arith.addi %scan3A_9, %scan3A_10 : i32
    %scan3A_12 = arith.constant 1 : i32
    scf.for %scan3A_19 = %scan3A_9 to %scan3A_11 step %scan3A_12  : i32 {
      %mul3A_20 = arith.constant 1 : i32
      %mul3A_21 = arith.muli %scan3A_19, %mul3A_20 : i32
      %add3A_22 = arith.constant 0 : i32
      %add3A_23 = arith.addi %add3A_22, %mul3A_21 : i32
      "tpu.region"() ({
        %run_scoped3A = tpu.sem_alloc : memref<!tpu.dma_semaphore, #tpu.memory_space<semaphore_mem>>
        %dma_start3A = arith.constant 0 : i32
        %dma_start3A_24 = tpu.memref_slice %arg7[%add3A_23, %dma_start3A] : memref<79x128xi32, #tpu.memory_space<vmem>> -> memref<1x128xi32, #tpu.memory_space<vmem>>
        %dma_start3A_25 = tpu.memref_squeeze %dma_start3A_24 : memref<1x128xi32, #tpu.memory_space<vmem>> -> memref<128xi32, #tpu.memory_space<vmem>>
        %dma_start3A_26 = arith.constant 0 : i32
        %dma_start3A_27 = arith.constant 0 : i32
        %dma_start3A_28 = tpu.memref_slice %arg11[%dma_start3A_26, %dma_start3A_27] : memref<10240x16xf32, #tpu.memory_space<vmem_shared>> -> memref<10240x16xf32, #tpu.memory_space<vmem_shared>>
        tpu.enqueue_indirect_dma source(%dma_start3A_28 : memref<10240x16xf32, #tpu.memory_space<vmem_shared>>) target(%arg9 : memref<128x16xf32, #tpu.memory_space<vmem>>) offsets(%dma_start3A_25 : memref<128xi32, #tpu.memory_space<vmem>>) semaphore(%run_scoped3A : memref<!tpu.dma_semaphore, #tpu.memory_space<semaphore_mem>>)
        %dma_wait3A = arith.constant 0 : i32
        %dma_wait3A_29 = tpu.memref_slice %arg7[%add3A_23, %dma_wait3A] : memref<79x128xi32, #tpu.memory_space<vmem>> -> memref<1x128xi32, #tpu.memory_space<vmem>>
        %dma_wait3A_30 = tpu.memref_squeeze %dma_wait3A_29 : memref<1x128xi32, #tpu.memory_space<vmem>> -> memref<128xi32, #tpu.memory_space<vmem>>
        %dma_wait3A_31 = arith.constant 0 : i32
        %dma_wait3A_32 = arith.constant 0 : i32
        %dma_wait3A_33 = tpu.memref_slice %arg11[%dma_wait3A_31, %dma_wait3A_32] : memref<10240x16xf32, #tpu.memory_space<vmem_shared>> -> memref<10240x16xf32, #tpu.memory_space<vmem_shared>>
        tpu.wait_indirect_dma semaphore(%run_scoped3A : memref<!tpu.dma_semaphore, #tpu.memory_space<semaphore_mem>>) src(%dma_wait3A_33 : memref<10240x16xf32, #tpu.memory_space<vmem_shared>>) dst(%arg9 : memref<128x16xf32, #tpu.memory_space<vmem>>)
        tpu.yield
      }) : () -> ()
      "tpu.region"() ({
        %run_scoped3A = tpu.sem_alloc : memref<!tpu.dma_semaphore, #tpu.memory_space<semaphore_mem>>
        %dma_start3A = arith.constant 0 : i32
        %dma_start3A_24 = tpu.memref_slice %arg8[%add3A_23, %dma_start3A] : memref<79x128xi32, #tpu.memory_space<vmem>> -> memref<1x128xi32, #tpu.memory_space<vmem>>
        %dma_start3A_25 = tpu.memref_squeeze %dma_start3A_24 : memref<1x128xi32, #tpu.memory_space<vmem>> -> memref<128xi32, #tpu.memory_space<vmem>>
        %dma_start3A_26 = arith.constant 0 : i32
        %dma_start3A_27 = arith.constant 0 : i32
        %dma_start3A_28 = tpu.memref_slice %arg12[%dma_start3A_26, %dma_start3A_27] : memref<10240x16xf32, #tpu.memory_space<vmem_shared>> -> memref<10240x16xf32, #tpu.memory_space<vmem_shared>>
        tpu.enqueue_indirect_dma source(%arg9 : memref<128x16xf32, #tpu.memory_space<vmem>>) target(%dma_start3A_28 : memref<10240x16xf32, #tpu.memory_space<vmem_shared>>) offsets(%dma_start3A_25 : memref<128xi32, #tpu.memory_space<vmem>>) semaphore(%run_scoped3A : memref<!tpu.dma_semaphore, #tpu.memory_space<semaphore_mem>>) {add = true}
        %dma_wait3A = arith.constant 0 : i32
        %dma_wait3A_29 = tpu.memref_slice %arg8[%add3A_23, %dma_wait3A] : memref<79x128xi32, #tpu.memory_space<vmem>> -> memref<1x128xi32, #tpu.memory_space<vmem>>
        %dma_wait3A_30 = tpu.memref_squeeze %dma_wait3A_29 : memref<1x128xi32, #tpu.memory_space<vmem>> -> memref<128xi32, #tpu.memory_space<vmem>>
        %dma_wait3A_31 = arith.constant 0 : i32
        %dma_wait3A_32 = arith.constant 0 : i32
        %dma_wait3A_33 = tpu.memref_slice %arg12[%dma_wait3A_31, %dma_wait3A_32] : memref<10240x16xf32, #tpu.memory_space<vmem_shared>> -> memref<10240x16xf32, #tpu.memory_space<vmem_shared>>
        tpu.wait_indirect_dma semaphore(%run_scoped3A : memref<!tpu.dma_semaphore, #tpu.memory_space<semaphore_mem>>) src(%arg9 : memref<128x16xf32, #tpu.memory_space<vmem>>) dst(%dma_wait3A_33 : memref<10240x16xf32, #tpu.memory_space<vmem_shared>>)
        tpu.yield
      }) : () -> ()
    }
    %scan3A_13 = arith.constant 79 : i32
    %barrier3A_14 = arith.constant 0 : index
    tpu.barrier barrier_id(%barrier3A_14)
    %mul3A_15 = arith.constant 640 : i32
    %mul3A_16 = arith.muli %arg1, %mul3A_15 : i32
    %mul3A_17 = arith.constant 640 : i32
    %mul3A_18 = arith.muli %arg1, %mul3A_17 : i32
    "tpu.region"() ({
      %run_scoped3A = tpu.sem_alloc : memref<!tpu.dma_semaphore, #tpu.memory_space<semaphore_mem>>
      %dma_start3A = arith.constant 0 : i32
      %dma_start3A_19 = tpu.memref_slice %arg6[%arg0, %mul3A_18, %dma_start3A] : memref<2x10240x16xf32, #tpu.memory_space<hbm>> -> memref<1x640x16xf32, #tpu.memory_space<hbm>>
      %dma_start3A_20 = tpu.memref_squeeze %dma_start3A_19 : memref<1x640x16xf32, #tpu.memory_space<hbm>> -> memref<640x16xf32, #tpu.memory_space<hbm>>
      %dma_start3A_21 = arith.constant 0 : i32
      %dma_start3A_22 = tpu.memref_slice %arg12[%mul3A_16, %dma_start3A_21] : memref<10240x16xf32, #tpu.memory_space<vmem_shared>> -> memref<640x16xf32, #tpu.memory_space<vmem_shared>>
      tpu.enqueue_dma source(%dma_start3A_22 : memref<640x16xf32, #tpu.memory_space<vmem_shared>>) target(%dma_start3A_20 : memref<640x16xf32, #tpu.memory_space<hbm>>) target_semaphore(%run_scoped3A : memref<!tpu.dma_semaphore, #tpu.memory_space<semaphore_mem>>)
      %dma_wait3A = arith.constant 0 : i32
      %dma_wait3A_23 = tpu.memref_slice %arg6[%arg0, %mul3A_18, %dma_wait3A] : memref<2x10240x16xf32, #tpu.memory_space<hbm>> -> memref<1x640x16xf32, #tpu.memory_space<hbm>>
      %dma_wait3A_24 = tpu.memref_squeeze %dma_wait3A_23 : memref<1x640x16xf32, #tpu.memory_space<hbm>> -> memref<640x16xf32, #tpu.memory_space<hbm>>
      %dma_wait3A_25 = arith.constant 0 : i32
      %dma_wait3A_26 = tpu.memref_slice %arg12[%mul3A_16, %dma_wait3A_25] : memref<10240x16xf32, #tpu.memory_space<vmem_shared>> -> memref<640x16xf32, #tpu.memory_space<vmem_shared>>
      tpu.wait_dma2 semaphore(%run_scoped3A : memref<!tpu.dma_semaphore, #tpu.memory_space<semaphore_mem>>) src(%dma_wait3A_26 : memref<640x16xf32, #tpu.memory_space<vmem_shared>>) dst(%dma_wait3A_24 : memref<640x16xf32, #tpu.memory_space<hbm>>)
      tpu.yield
    }) : () -> ()
    return
  }
}

module attributes {stable_mosaic.version = 14 : i64} {
  func.func @_mm1_body(%arg0: i32, %arg1: memref<1024x128xf32, #tpu.memory_space<vmem>>, %arg2: memref<128x32xf32, #tpu.memory_space<vmem>>, %arg3: memref<1024x32xf32, #tpu.memory_space<vmem>>) attributes {dimension_semantics = [#tpu.dimension_semantics<arbitrary>], iteration_bounds = array<i64: 10>, scalar_prefetch = 0 : i64, scratch_operands = 0 : i64, tpu.core_type = #tpu.core_type<tc>, window_params = [{transform_indices = @transform_0, window_bounds = array<i64: 1024, 128>}, {pipeline_mode = #tpu.pipeline_mode<synchronous>, transform_indices = @transform_1, window_bounds = array<i64: 128, 32>}, {transform_indices = @transform_2, window_bounds = array<i64: 1024, 32>}]} {
    %get3A = arith.constant 0 : index
    %get3A_0 = arith.constant 0 : index
    %get3A_1 = vector.load %arg1[%get3A, %get3A_0] : memref<1024x128xf32, #tpu.memory_space<vmem>>, vector<1024x128xf32>
    %get3A_2 = arith.constant 0 : index
    %get3A_3 = arith.constant 0 : index
    %get3A_4 = vector.load %arg2[%get3A_2, %get3A_3] : memref<128x32xf32, #tpu.memory_space<vmem>>, vector<128x32xf32>
    %dot_general3A = arith.constant dense<0.000000e+00> : vector<1024x32xf32>
    %dot_general3A_5 = tpu.matmul %get3A_1, %get3A_4, %dot_general3A {dimension_numbers = #tpu.dot_dimension_numbers<[1], [0], [0], [1], [0, 0, 1, 1], [], []>, precision = #tpu.contract_precision<fp32>, transpose_lhs_hint = false} : vector<1024x128xf32>, vector<128x32xf32>, vector<1024x32xf32> -> vector<1024x32xf32>
    %swap3A = arith.constant 0 : index
    %swap3A_6 = arith.constant 0 : index
    %swap3A_7 = vector.load %arg3[%swap3A, %swap3A_6] : memref<1024x32xf32, #tpu.memory_space<vmem>>, vector<1024x32xf32>
    tpu.vector_store %arg3[%swap3A, %swap3A_6], %dot_general3A_5 {strides = array<i32>} : memref<1024x32xf32, #tpu.memory_space<vmem>>, vector<1024x32xf32>,
    return
  }
  func.func @transform_0(%arg0: i32) -> (i32, i32) {
    %c0_i32 = arith.constant 0 : i32
    %c0_i32_0 = arith.constant 0 : i32
    return %arg0, %c0_i32 : i32, i32
  }
  func.func @transform_1(%arg0: i32) -> (i32, i32) {
    %c0_i32 = arith.constant 0 : i32
    %c0_i32_0 = arith.constant 0 : i32
    %c0_i32_1 = arith.constant 0 : i32
    return %c0_i32, %c0_i32_0 : i32, i32
  }
  func.func @transform_2(%arg0: i32) -> (i32, i32) {
    %c0_i32 = arith.constant 0 : i32
    %c0_i32_0 = arith.constant 0 : i32
    return %arg0, %c0_i32 : i32, i32
  }
}

module attributes {stable_mosaic.version = 14 : i64} {
  func.func @_prep_body(%arg0: i32, %arg1: memref<2x1024x16xf32, #tpu.memory_space<vmem>>, %arg2: memref<1024x32xf32, #tpu.memory_space<vmem>>, %arg3: memref<1024x1xf32, #tpu.memory_space<vmem>>, %arg4: memref<1024x32xf32, #tpu.memory_space<vmem>>) attributes {dimension_semantics = [#tpu.dimension_semantics<arbitrary>], iteration_bounds = array<i64: 10>, scalar_prefetch = 0 : i64, scratch_operands = 0 : i64, tpu.core_type = #tpu.core_type<tc>, window_params = [{transform_indices = @transform_0, window_bounds = array<i64: 2, 1024, 16>}, {transform_indices = @transform_1, window_bounds = array<i64: 1024, 32>}, {transform_indices = @transform_2, window_bounds = array<i64: 1024, 1>}, {transform_indices = @transform_3, window_bounds = array<i64: 1024, 32>}]} {
    %get3A = arith.constant 0 : index
    %get3A_0 = arith.constant 0 : index
    %get3A_1 = arith.constant 0 : index
    %get3A_2 = vector.load %arg1[%get3A, %get3A_0, %get3A_1] : memref<2x1024x16xf32, #tpu.memory_space<vmem>>, vector<1x1024x1xf32>
    %get3A_3 = vector.shape_cast %get3A_2 : vector<1x1024x1xf32> to vector<1024x1xf32>
    %get3A_4 = arith.constant 1 : index
    %get3A_5 = arith.constant 0 : index
    %get3A_6 = arith.constant 0 : index
    %get3A_7 = vector.load %arg1[%get3A_4, %get3A_5, %get3A_6] : memref<2x1024x16xf32, #tpu.memory_space<vmem>>, vector<1x1024x1xf32>
    %get3A_8 = vector.shape_cast %get3A_7 : vector<1x1024x1xf32> to vector<1024x1xf32>
    %add3A = arith.addf %get3A_3, %get3A_8 : vector<1024x1xf32>
    %add3A_9 = arith.constant 1.000000e+00 : f32
    %add3A_10 = vector.broadcast %add3A_9 : f32 to vector<1024x1xf32>
    %add3A_11 = arith.addf %add3A, %add3A_10 : vector<1024x1xf32>
    %sqrt3A = math.sqrt %add3A_11 : vector<1024x1xf32>
    %div3A = arith.constant 1.000000e+00 : f32
    %div3A_12 = vector.broadcast %div3A : f32 to vector<1024x1xf32>
    %div3A_13 = arith.divf %div3A_12, %sqrt3A : vector<1024x1xf32>
    %swap3A = arith.constant 0 : index
    %swap3A_14 = arith.constant 0 : index
    %swap3A_15 = vector.load %arg3[%swap3A, %swap3A_14] : memref<1024x1xf32, #tpu.memory_space<vmem>>, vector<1024x1xf32>
    tpu.vector_store %arg3[%swap3A, %swap3A_14], %div3A_13 {strides = array<i32>} : memref<1024x1xf32, #tpu.memory_space<vmem>>, vector<1024x1xf32>,
    %get3A_16 = arith.constant 0 : index
    %get3A_17 = arith.constant 0 : index
    %get3A_18 = vector.load %arg2[%get3A_16, %get3A_17] : memref<1024x32xf32, #tpu.memory_space<vmem>>, vector<1024x32xf32>
    %mul3A = vector.broadcast %div3A_13 : vector<1024x1xf32> to vector<1024x32xf32>
    %mul3A_19 = arith.mulf %mul3A, %get3A_18 : vector<1024x32xf32>
    %swap3A_20 = arith.constant 0 : index
    %swap3A_21 = arith.constant 0 : index
    %swap3A_22 = vector.load %arg4[%swap3A_20, %swap3A_21] : memref<1024x32xf32, #tpu.memory_space<vmem>>, vector<1024x32xf32>
    tpu.vector_store %arg4[%swap3A_20, %swap3A_21], %mul3A_19 {strides = array<i32>} : memref<1024x32xf32, #tpu.memory_space<vmem>>, vector<1024x32xf32>,
    return
  }
  func.func @transform_0(%arg0: i32) -> (i32, i32, i32) {
    %c0_i32 = arith.constant 0 : i32
    %c0_i32_0 = arith.constant 0 : i32
    %c0_i32_1 = arith.constant 0 : i32
    return %c0_i32, %arg0, %c0_i32_0 : i32, i32, i32
  }
  func.func @transform_1(%arg0: i32) -> (i32, i32) {
    %c0_i32 = arith.constant 0 : i32
    %c0_i32_0 = arith.constant 0 : i32
    return %arg0, %c0_i32 : i32, i32
  }
  func.func @transform_2(%arg0: i32) -> (i32, i32) {
    %c0_i32 = arith.constant 0 : i32
    %c0_i32_0 = arith.constant 0 : i32
    return %arg0, %c0_i32 : i32, i32
  }
  func.func @transform_3(%arg0: i32) -> (i32, i32) {
    %c0_i32 = arith.constant 0 : i32
    %c0_i32_0 = arith.constant 0 : i32
    return %arg0, %c0_i32 : i32, i32
  }
}

module attributes {stable_mosaic.version = 14 : i64} {
  func.func @_l2_body(%arg0: i32, %arg1: memref<2x1024x32xf32, #tpu.memory_space<vmem>>, %arg2: memref<1024x32xf32, #tpu.memory_space<vmem>>, %arg3: memref<1024x1xf32, #tpu.memory_space<vmem>>, %arg4: memref<32x16xf32, #tpu.memory_space<vmem>>, %arg5: memref<1x32xf32, #tpu.memory_space<vmem>>, %arg6: memref<1024x16xf32, #tpu.memory_space<vmem>>) attributes {dimension_semantics = [#tpu.dimension_semantics<arbitrary>], iteration_bounds = array<i64: 10>, scalar_prefetch = 0 : i64, scratch_operands = 0 : i64, tpu.core_type = #tpu.core_type<tc>, window_params = [{transform_indices = @transform_0, window_bounds = array<i64: 2, 1024, 32>}, {transform_indices = @transform_1, window_bounds = array<i64: 1024, 32>}, {transform_indices = @transform_2, window_bounds = array<i64: 1024, 1>}, {pipeline_mode = #tpu.pipeline_mode<synchronous>, transform_indices = @transform_3, window_bounds = array<i64: 32, 16>}, {pipeline_mode = #tpu.pipeline_mode<synchronous>, transform_indices = @transform_4, window_bounds = array<i64: 1, 32>}, {transform_indices = @transform_5, window_bounds = array<i64: 1024, 16>}]} {
    %get3A = arith.constant 0 : index
    %get3A_0 = arith.constant 0 : index
    %get3A_1 = vector.load %arg3[%get3A, %get3A_0] : memref<1024x1xf32, #tpu.memory_space<vmem>>, vector<1024x1xf32>
    %get3A_2 = arith.constant 0 : index
    %get3A_3 = arith.constant 0 : index
    %get3A_4 = arith.constant 0 : index
    %get3A_5 = vector.load %arg1[%get3A_2, %get3A_3, %get3A_4] : memref<2x1024x32xf32, #tpu.memory_space<vmem>>, vector<1x1024x32xf32>
    %get3A_6 = vector.shape_cast %get3A_5 : vector<1x1024x32xf32> to vector<1024x32xf32>
    %get3A_7 = arith.constant 1 : index
    %get3A_8 = arith.constant 0 : index
    %get3A_9 = arith.constant 0 : index
    %get3A_10 = vector.load %arg1[%get3A_7, %get3A_8, %get3A_9] : memref<2x1024x32xf32, #tpu.memory_space<vmem>>, vector<1x1024x32xf32>
    %get3A_11 = vector.shape_cast %get3A_10 : vector<1x1024x32xf32> to vector<1024x32xf32>
    %add3A = arith.addf %get3A_6, %get3A_11 : vector<1024x32xf32>
    %mul3A = vector.broadcast %get3A_1 : vector<1024x1xf32> to vector<1024x32xf32>
    %mul3A_12 = arith.mulf %mul3A, %add3A : vector<1024x32xf32>
    %mul3A_13 = arith.mulf %get3A_1, %get3A_1 : vector<1024x1xf32>
    %get3A_14 = arith.constant 0 : index
    %get3A_15 = arith.constant 0 : index
    %get3A_16 = vector.load %arg2[%get3A_14, %get3A_15] : memref<1024x32xf32, #tpu.memory_space<vmem>>, vector<1024x32xf32>
    %mul3A_17 = vector.broadcast %mul3A_13 : vector<1024x1xf32> to vector<1024x32xf32>
    %mul3A_18 = arith.mulf %mul3A_17, %get3A_16 : vector<1024x32xf32>
    %add3A_19 = arith.addf %mul3A_12, %mul3A_18 : vector<1024x32xf32>
    %get3A_20 = arith.constant 0 : index
    %get3A_21 = arith.constant 0 : index
    %get3A_22 = vector.load %arg5[%get3A_20, %get3A_21] : memref<1x32xf32, #tpu.memory_space<vmem>>, vector<1x32xf32>
    %add3A_23 = vector.broadcast %get3A_22 : vector<1x32xf32> to vector<1024x32xf32>
    %add3A_24 = arith.addf %add3A_19, %add3A_23 : vector<1024x32xf32>
    %max3A = arith.constant 0.000000e+00 : f32
    %max3A_25 = vector.broadcast %max3A : f32 to vector<1024x32xf32>
    %max3A_26 = arith.maximumf %add3A_24, %max3A_25 : vector<1024x32xf32>
    %mul3A_27 = vector.broadcast %get3A_1 : vector<1024x1xf32> to vector<1024x32xf32>
    %mul3A_28 = arith.mulf %mul3A_27, %max3A_26 : vector<1024x32xf32>
    %get3A_29 = arith.constant 0 : index
    %get3A_30 = arith.constant 0 : index
    %get3A_31 = vector.load %arg4[%get3A_29, %get3A_30] : memref<32x16xf32, #tpu.memory_space<vmem>>, vector<32x16xf32>
    %dot_general3A = arith.constant dense<0.000000e+00> : vector<1024x16xf32>
    %dot_general3A_32 = tpu.matmul %mul3A_28, %get3A_31, %dot_general3A {dimension_numbers = #tpu.dot_dimension_numbers<[1], [0], [0], [1], [0, 0, 1, 1], [], []>, precision = #tpu.contract_precision<fp32>, transpose_lhs_hint = false} : vector<1024x32xf32>, vector<32x16xf32>, vector<1024x16xf32> -> vector<1024x16xf32>
    %swap3A = arith.constant 0 : index
    %swap3A_33 = arith.constant 0 : index
    %swap3A_34 = vector.load %arg6[%swap3A, %swap3A_33] : memref<1024x16xf32, #tpu.memory_space<vmem>>, vector<1024x16xf32>
    tpu.vector_store %arg6[%swap3A, %swap3A_33], %dot_general3A_32 {strides = array<i32>} : memref<1024x16xf32, #tpu.memory_space<vmem>>, vector<1024x16xf32>,
    return
  }
  func.func @transform_0(%arg0: i32) -> (i32, i32, i32) {
    %c0_i32 = arith.constant 0 : i32
    %c0_i32_0 = arith.constant 0 : i32
    %c0_i32_1 = arith.constant 0 : i32
    return %c0_i32, %arg0, %c0_i32_0 : i32, i32, i32
  }
  func.func @transform_1(%arg0: i32) -> (i32, i32) {
    %c0_i32 = arith.constant 0 : i32
    %c0_i32_0 = arith.constant 0 : i32
    return %arg0, %c0_i32 : i32, i32
  }
  func.func @transform_2(%arg0: i32) -> (i32, i32) {
    %c0_i32 = arith.constant 0 : i32
    %c0_i32_0 = arith.constant 0 : i32
    return %arg0, %c0_i32 : i32, i32
  }
  func.func @transform_3(%arg0: i32) -> (i32, i32) {
    %c0_i32 = arith.constant 0 : i32
    %c0_i32_0 = arith.constant 0 : i32
    %c0_i32_1 = arith.constant 0 : i32
    return %c0_i32, %c0_i32_0 : i32, i32
  }
  func.func @transform_4(%arg0: i32) -> (i32, i32) {
    %c0_i32 = arith.constant 0 : i32
    %c0_i32_0 = arith.constant 0 : i32
    %c0_i32_1 = arith.constant 0 : i32
    return %c0_i32, %c0_i32_0 : i32, i32
  }
  func.func @transform_5(%arg0: i32) -> (i32, i32) {
    %c0_i32 = arith.constant 0 : i32
    %c0_i32_0 = arith.constant 0 : i32
    return %arg0, %c0_i32 : i32, i32
  }
}

module attributes {stable_mosaic.version = 14 : i64} {
  func.func @_l3_body(%arg0: i32, %arg1: memref<2x1024x16xf32, #tpu.memory_space<vmem>>, %arg2: memref<1024x16xf32, #tpu.memory_space<vmem>>, %arg3: memref<1024x1xf32, #tpu.memory_space<vmem>>, %arg4: memref<1x16xf32, #tpu.memory_space<vmem>>, %arg5: memref<16x1xf32, #tpu.memory_space<vmem>>, %arg6: memref<1024x16xf32, #tpu.memory_space<vmem>>) attributes {dimension_semantics = [#tpu.dimension_semantics<arbitrary>], iteration_bounds = array<i64: 10>, scalar_prefetch = 0 : i64, scratch_operands = 0 : i64, tpu.core_type = #tpu.core_type<tc>, window_params = [{transform_indices = @transform_0, window_bounds = array<i64: 2, 1024, 16>}, {transform_indices = @transform_1, window_bounds = array<i64: 1024, 16>}, {transform_indices = @transform_2, window_bounds = array<i64: 1024, 1>}, {pipeline_mode = #tpu.pipeline_mode<synchronous>, transform_indices = @transform_3, window_bounds = array<i64: 1, 16>}, {pipeline_mode = #tpu.pipeline_mode<synchronous>, transform_indices = @transform_4, window_bounds = array<i64: 16, 1>}, {transform_indices = @transform_5, window_bounds = array<i64: 1024, 16>}]} {
    %get3A = arith.constant 0 : index
    %get3A_0 = arith.constant 0 : index
    %get3A_1 = vector.load %arg3[%get3A, %get3A_0] : memref<1024x1xf32, #tpu.memory_space<vmem>>, vector<1024x1xf32>
    %get3A_2 = arith.constant 0 : index
    %get3A_3 = arith.constant 0 : index
    %get3A_4 = arith.constant 0 : index
    %get3A_5 = vector.load %arg1[%get3A_2, %get3A_3, %get3A_4] : memref<2x1024x16xf32, #tpu.memory_space<vmem>>, vector<1x1024x16xf32>
    %get3A_6 = vector.shape_cast %get3A_5 : vector<1x1024x16xf32> to vector<1024x16xf32>
    %get3A_7 = arith.constant 1 : index
    %get3A_8 = arith.constant 0 : index
    %get3A_9 = arith.constant 0 : index
    %get3A_10 = vector.load %arg1[%get3A_7, %get3A_8, %get3A_9] : memref<2x1024x16xf32, #tpu.memory_space<vmem>>, vector<1x1024x16xf32>
    %get3A_11 = vector.shape_cast %get3A_10 : vector<1x1024x16xf32> to vector<1024x16xf32>
    %add3A = arith.addf %get3A_6, %get3A_11 : vector<1024x16xf32>
    %mul3A = vector.broadcast %get3A_1 : vector<1024x1xf32> to vector<1024x16xf32>
    %mul3A_12 = arith.mulf %mul3A, %add3A : vector<1024x16xf32>
    %get3A_13 = arith.constant 0 : index
    %get3A_14 = arith.constant 0 : index
    %get3A_15 = vector.load %arg2[%get3A_13, %get3A_14] : memref<1024x16xf32, #tpu.memory_space<vmem>>, vector<1024x16xf32>
    %mul3A_16 = vector.broadcast %get3A_1 : vector<1024x1xf32> to vector<1024x16xf32>
    %mul3A_17 = arith.mulf %mul3A_16, %get3A_15 : vector<1024x16xf32>
    %add3A_18 = arith.addf %mul3A_12, %mul3A_17 : vector<1024x16xf32>
    %get3A_19 = arith.constant 0 : index
    %get3A_20 = arith.constant 0 : index
    %get3A_21 = vector.load %arg4[%get3A_19, %get3A_20] : memref<1x16xf32, #tpu.memory_space<vmem>>, vector<1x16xf32>
    %add3A_22 = vector.broadcast %get3A_21 : vector<1x16xf32> to vector<1024x16xf32>
    %add3A_23 = arith.addf %add3A_18, %add3A_22 : vector<1024x16xf32>
    %max3A = arith.constant 0.000000e+00 : f32
    %max3A_24 = vector.broadcast %max3A : f32 to vector<1024x16xf32>
    %max3A_25 = arith.maximumf %add3A_23, %max3A_24 : vector<1024x16xf32>
    %get3A_26 = arith.constant 0 : index
    %get3A_27 = arith.constant 0 : index
    %get3A_28 = vector.load %arg5[%get3A_26, %get3A_27] : memref<16x1xf32, #tpu.memory_space<vmem>>, vector<16x1xf32>
    %dot_general3A = arith.constant dense<0.000000e+00> : vector<1024x1xf32>
    %dot_general3A_29 = tpu.matmul %max3A_25, %get3A_28, %dot_general3A {dimension_numbers = #tpu.dot_dimension_numbers<[1], [0], [0], [1], [0, 0, 1, 1], [], []>, precision = #tpu.contract_precision<fp32>, transpose_lhs_hint = false} : vector<1024x16xf32>, vector<16x1xf32>, vector<1024x1xf32> -> vector<1024x1xf32>
    %iota3A = tpu.iota {dimensions = array<i32: 1>} : vector<1024x16xi32>
    %eq3A = arith.constant 0 : i32
    %eq3A_30 = vector.broadcast %eq3A : i32 to vector<1024x16xi32>
    %eq3A_31 = arith.cmpi eq, %iota3A, %eq3A_30 : vector<1024x16xi32>
    %mul3A_32 = arith.mulf %get3A_1, %dot_general3A_29 : vector<1024x1xf32>
    %jit3A = arith.constant 0.000000e+00 : f32
    %broadcast_in_dim3A = vector.shape_cast %mul3A_32 : vector<1024x1xf32> to vector<1024x1xf32>
    %broadcast_in_dim3A_33 = vector.broadcast %broadcast_in_dim3A : vector<1024x1xf32> to vector<1024x16xf32>
    %broadcast_in_dim3A_34 = vector.broadcast %jit3A : f32 to vector<1024x16xf32>
    %select_n3A = arith.select %eq3A_31, %broadcast_in_dim3A_33, %broadcast_in_dim3A_34 : vector<1024x16xi1>, vector<1024x16xf32>
    %swap3A = arith.constant 0 : index
    %swap3A_35 = arith.constant 0 : index
    %swap3A_36 = vector.load %arg6[%swap3A, %swap3A_35] : memref<1024x16xf32, #tpu.memory_space<vmem>>, vector<1024x16xf32>
    tpu.vector_store %arg6[%swap3A, %swap3A_35], %select_n3A {strides = array<i32>} : memref<1024x16xf32, #tpu.memory_space<vmem>>, vector<1024x16xf32>,
    return
  }
  func.func @transform_0(%arg0: i32) -> (i32, i32, i32) {
    %c0_i32 = arith.constant 0 : i32
    %c0_i32_0 = arith.constant 0 : i32
    %c0_i32_1 = arith.constant 0 : i32
    return %c0_i32, %arg0, %c0_i32_0 : i32, i32, i32
  }
  func.func @transform_1(%arg0: i32) -> (i32, i32) {
    %c0_i32 = arith.constant 0 : i32
    %c0_i32_0 = arith.constant 0 : i32
    return %arg0, %c0_i32 : i32, i32
  }
  func.func @transform_2(%arg0: i32) -> (i32, i32) {
    %c0_i32 = arith.constant 0 : i32
    %c0_i32_0 = arith.constant 0 : i32
    return %arg0, %c0_i32 : i32, i32
  }
  func.func @transform_3(%arg0: i32) -> (i32, i32) {
    %c0_i32 = arith.constant 0 : i32
    %c0_i32_0 = arith.constant 0 : i32
    %c0_i32_1 = arith.constant 0 : i32
    return %c0_i32, %c0_i32_0 : i32, i32
  }
  func.func @transform_4(%arg0: i32) -> (i32, i32) {
    %c0_i32 = arith.constant 0 : i32
    %c0_i32_0 = arith.constant 0 : i32
    %c0_i32_1 = arith.constant 0 : i32
    return %c0_i32, %c0_i32_0 : i32, i32
  }
  func.func @transform_5(%arg0: i32) -> (i32, i32) {
    %c0_i32 = arith.constant 0 : i32
    %c0_i32_0 = arith.constant 0 : i32
    return %arg0, %c0_i32 : i32, i32
  }
}

module attributes {stable_mosaic.version = 14 : i64} {
  func.func @_final_body(%arg0: i32, %arg1: memref<2x1024x16xf32, #tpu.memory_space<vmem>>, %arg2: memref<1024x16xf32, #tpu.memory_space<vmem>>, %arg3: memref<1024x1xf32, #tpu.memory_space<vmem>>, %arg4: memref<1x1xf32, #tpu.memory_space<vmem>>, %arg5: memref<1024x1xf32, #tpu.memory_space<vmem>>) attributes {dimension_semantics = [#tpu.dimension_semantics<arbitrary>], iteration_bounds = array<i64: 10>, scalar_prefetch = 0 : i64, scratch_operands = 0 : i64, tpu.core_type = #tpu.core_type<tc>, window_params = [{transform_indices = @transform_0, window_bounds = array<i64: 2, 1024, 16>}, {transform_indices = @transform_1, window_bounds = array<i64: 1024, 16>}, {transform_indices = @transform_2, window_bounds = array<i64: 1024, 1>}, {pipeline_mode = #tpu.pipeline_mode<synchronous>, transform_indices = @transform_3, window_bounds = array<i64: 1, 1>}, {transform_indices = @transform_4, window_bounds = array<i64: 1024, 1>}]} {
    %get3A = arith.constant 0 : index
    %get3A_0 = arith.constant 0 : index
    %get3A_1 = vector.load %arg3[%get3A, %get3A_0] : memref<1024x1xf32, #tpu.memory_space<vmem>>, vector<1024x1xf32>
    %get3A_2 = arith.constant 0 : index
    %get3A_3 = arith.constant 0 : index
    %get3A_4 = arith.constant 0 : index
    %get3A_5 = vector.load %arg1[%get3A_2, %get3A_3, %get3A_4] : memref<2x1024x16xf32, #tpu.memory_space<vmem>>, vector<1x1024x1xf32>
    %get3A_6 = vector.shape_cast %get3A_5 : vector<1x1024x1xf32> to vector<1024x1xf32>
    %get3A_7 = arith.constant 1 : index
    %get3A_8 = arith.constant 0 : index
    %get3A_9 = arith.constant 0 : index
    %get3A_10 = vector.load %arg1[%get3A_7, %get3A_8, %get3A_9] : memref<2x1024x16xf32, #tpu.memory_space<vmem>>, vector<1x1024x1xf32>
    %get3A_11 = vector.shape_cast %get3A_10 : vector<1x1024x1xf32> to vector<1024x1xf32>
    %add3A = arith.addf %get3A_6, %get3A_11 : vector<1024x1xf32>
    %get3A_12 = arith.constant 0 : index
    %get3A_13 = arith.constant 0 : index
    %get3A_14 = vector.load %arg2[%get3A_12, %get3A_13] : memref<1024x16xf32, #tpu.memory_space<vmem>>, vector<1024x16xf32>
    %slice3A = vector.extract_strided_slice %get3A_14 {offsets = [0, 0], sizes = [1024, 1], strides = [1, 1]} : vector<1024x16xf32> to vector<1024x1xf32>
    %add3A_15 = arith.addf %add3A, %slice3A : vector<1024x1xf32>
    %mul3A = arith.mulf %get3A_1, %add3A_15 : vector<1024x1xf32>
    %get3A_16 = arith.constant 0 : index
    %get3A_17 = arith.constant 0 : index
    %get3A_18 = vector.load %arg4[%get3A_16, %get3A_17] : memref<1x1xf32, #tpu.memory_space<vmem>>, vector<1x1xf32>
    %add3A_19 = vector.broadcast %get3A_18 : vector<1x1xf32> to vector<1024x1xf32>
    %add3A_20 = arith.addf %mul3A, %add3A_19 : vector<1024x1xf32>
    %swap3A = arith.constant 0 : index
    %swap3A_21 = arith.constant 0 : index
    %swap3A_22 = vector.load %arg5[%swap3A, %swap3A_21] : memref<1024x1xf32, #tpu.memory_space<vmem>>, vector<1024x1xf32>
    tpu.vector_store %arg5[%swap3A, %swap3A_21], %add3A_20 {strides = array<i32>} : memref<1024x1xf32, #tpu.memory_space<vmem>>, vector<1024x1xf32>,
    return
  }
  func.func @transform_0(%arg0: i32) -> (i32, i32, i32) {
    %c0_i32 = arith.constant 0 : i32
    %c0_i32_0 = arith.constant 0 : i32
    %c0_i32_1 = arith.constant 0 : i32
    return %c0_i32, %arg0, %c0_i32_0 : i32, i32, i32
  }
  func.func @transform_1(%arg0: i32) -> (i32, i32) {
    %c0_i32 = arith.constant 0 : i32
    %c0_i32_0 = arith.constant 0 : i32
    return %arg0, %c0_i32 : i32, i32
  }
  func.func @transform_2(%arg0: i32) -> (i32, i32) {
    %c0_i32 = arith.constant 0 : i32
    %c0_i32_0 = arith.constant 0 : i32
    return %arg0, %c0_i32 : i32, i32
  }
  func.func @transform_3(%arg0: i32) -> (i32, i32) {
    %c0_i32 = arith.constant 0 : i32
    %c0_i32_0 = arith.constant 0 : i32
    %c0_i32_1 = arith.constant 0 : i32
    return %c0_i32, %c0_i32_0 : i32, i32
  }
  func.func @transform_4(%arg0: i32) -> (i32, i32) {
    %c0_i32 = arith.constant 0 : i32
    %c0_i32_0 = arith.constant 0 : i32
    return %arg0, %c0_i32 : i32, i32
  }
}

</mosaic_0001>

<sc_bundles>
// kernel: kernel.11.cloned.1.call-start
scs
__scs_entry_jumppad:
0x0: {  	(pc) =	sbr.rel $0x88, $3  }
0x1: {  	(tag) =	ssettag $0x0;
	lr =	simm.s32 $0x1  }
0x2: {  	[smem:$0x3F99] =	sst lr;
	_ =	strace $0xD0000000  }
0x3: {  	_ = 	snop  }
0x4: {  	_ = 	snop  }
0x5: {  	_ = 	snop  }
0x6: {  	_ = 	snop  }
0x7: {  	_ = 	snop  }
__scs_overlays_trampoline_lowered:
0x8: {  	[smem:$0x3FA8] =	sst s0  }
0x9: {  	[smem:$0x3FA9] =	sst s1  }
0xa: {  	[smem:$0x3FAA] =	sst s2  }
0xb: {  	[smem:$0x3FAB] =	sst s3  }
0xc: {  	[smem:$0x3FAC] =	sst s4  }
0xd: {  	[smem:$0x3FAD] =	sst s5  }
0xe: {  	[smem:$0x3FAE] =	sst s6  }
0xf: {  	[smem:$0x3FAF] =	sst s7  }
0x10: {  	[smem:$0x3FB0] =	sst s8  }
0x11: {  	[smem:$0x3FB1] =	sst s9;
	s0 =	simm.s32 @!p0 $0x0  }
0x12: {  	s1 =	sld [smem:$0x3F97];
	s0 =	simm.s32 @p0 $0x1  }
0x13: {  	[smem:$0x3FB2] =	sst s0;
	s0 =	simm.s32 @!p1 $0x0  }
0x14: {  	s2 =	sld [smem:$0x3F96];
	s0 =	simm.s32 @p1 $0x1  }
0x15: {  	[smem:$0x3FB3] =	sst s0;
	s0 =	simm.s32 @!p2 $0x0  }
0x16: {  	s3 =	sld [smem:$0x3FDB];
	s0 =	simm.s32 @p2 $0x1  }
0x17: {  	s4 =	simm.s32 $0x1BF5;
	[smem:$0x3FB5] =	sst s0  }
0x18: {  	s0 =	sld [smem:$0x3F98];
	_ =	swait.ge [sflag:s4], $0x0  }
0x19: {  	s7 =	sld [smem:$0x3F99]  }
0x1a: {  	s8 =	sadd.s32 $0xFFFFE003, lr  }
0x1b: {  	s9 =	sadd.s32 $0xFFFFFEF7, lr;
	s5 =	simm.s32 $0xFFFFFFFF;
	p2 =	slt.u32 s8, $0xFFFFF086  }
0x1c: {  	p1 =	slt.u32 s9, $0xF7A;
	s5 =	simm.s32 @!p2 $0x0  }
0x1d: {  	s5 =	simm.s32 @p1 $0x1;
	p0 =	seq.s32 s7, s2  }
0x1e: {  	s7 =	smul.u32 @!p0 $0xF7A, s2;
	p2 =	seq.s32 @!p0 s5, $0x0  }
0x1f: {  	s9 =	smul.u32 $0xF7A, s1;
	s8 =	simm.s32 @!p0 $0x1BF5;
	p2 =	por !p2, p0  }
0x20: {  	[sflag:s8] =	ssyncset.s32 @!p0 $0xFFFFF086;
	s6 =	sadd.s32 @!p0 s3, s7;
	s7 =	simm.s32 @!p0 $0x108  }
0x21: {  	s3 =	sadd.s32 s3, s9;
	s6 =	sadd.s32 @!p0 $0x88, s6;
	s7 =	simm.s32 @p2 $0x1082  }
0x22: {  	[simem:s7], [sflag:s8] =	dma.local @!p0 [hbm:s6], $0xF7A  }
0x23: {  	s9 =	sor.u32 $0xD0000000, s2;
	s6 =	simm.s32 $0x108;
	_ =	swait.ge @!p0 [sflag:s8], $0x0  }
0x24: {  	s3 =	sadd.s32 $0x88, s3;
	s6 =	simm.s32 @!p1 $0x1082;
	[sflag:s4] =	ssyncset.s32 $0xFFFFF086  }
0x25: {  	[simem:s6], [sflag:s4] =	dma.local [hbm:s3], $0xF7A  }
0x26: {  	[smem:$0x3F99] =	sst s1;
	(tag) =	ssettag s2;
	_ =	strace s9  }
0x27: {  	s1 =	sld [smem:$0x3FA9]  }
0x28: {  	s2 =	sld [smem:$0x3FAA]  }
0x29: {  	s4 =	sld [smem:$0x3FAC]  }
0x2a: {  	p0 =	seq.s32 s5, $0x0;
	s5 =	sld [smem:$0x3FAD]  }
0x2b: {  	s6 =	sld [smem:$0x3FAE]  }
0x2c: {  	s7 =	sld [smem:$0x3FAF]  }
0x2d: {  	s3 =	simm.s32 $0x108;
	s8 =	sld [smem:$0x3FB0]  }
0x2e: {  	s3 =	simm.s32 @!p0 $0x1082;
	s9 =	sld [smem:$0x3FB1]  }
0x2f: {  	lr =	sadd.s32 s0, s3;
	s0 =	sld [smem:$0x3FA8]  }
0x30: {  	s3 =	sld [smem:$0x3FAB]  }
0x31: {  	[smem:$0x3FB4] =	sst s10  }
0x32: {  	s10 =	sld [smem:$0x3FB2];
	_ =	sdelay $0x3  }
0x33: {  	p0 =	seq.s32 s10, $0x1;
	s10 =	sld [smem:$0x3FB4];
	_ =	sdelay $0x3  }
0x34: {  	[smem:$0x3FB4] =	sst s10  }
0x35: {  	s10 =	sld [smem:$0x3FB3];
	_ =	sdelay $0x3  }
0x36: {  	p1 =	seq.s32 s10, $0x1;
	s10 =	sld [smem:$0x3FB4];
	_ =	sdelay $0x3  }
0x37: {  	[smem:$0x3FB4] =	sst s10  }
0x38: {  	s10 =	sld [smem:$0x3FB5]  }
0x39: {  	_ = 	snop;
	(pc) =	sbr.ind lr, $3  }
0x3a: {  	_ = 	snop  }
0x3b: {  	_ = 	snop  }
0x3c: {  	p2 =	seq.s32 s10, $0x1;
	s10 =	sld [smem:$0x3FB4]  }
0x3d: {  	_ =	shalt  }
0x3e: {  	_ =	shalt  }
0x3f: {  	_ =	shalt  }
0x40: {  	_ =	shalt  }
0x41: {  	_ =	shalt  }
0x42: {  	_ =	shalt  }
0x43: {  	_ =	shalt  }
0x44: {  	_ =	shalt  }
0x45: {  	_ =	shalt  }
0x46: {  	_ =	shalt  }
0x47: {  	_ =	shalt  }
0x48: {  	_ =	shalt  }
0x49: {  	_ =	shalt  }
0x4a: {  	_ =	shalt  }
0x4b: {  	_ =	shalt  }
0x4c: {  	_ =	shalt  }
0x4d: {  	_ =	shalt  }
0x4e: {  	_ =	shalt  }
0x4f: {  	_ =	shalt  }
0x50: {  	_ =	shalt  }
0x51: {  	_ =	shalt  }
0x52: {  	_ =	shalt  }
0x53: {  	_ =	shalt  }
0x54: {  	_ =	shalt  }
0x55: {  	_ =	shalt  }
0x56: {  	_ =	shalt  }
0x57: {  	_ =	shalt  }
0x58: {  	_ =	shalt  }
0x59: {  	_ =	shalt  }
0x5a: {  	_ =	shalt  }
0x5b: {  	_ =	shalt  }
0x5c: {  	_ =	shalt  }
0x5d: {  	_ =	shalt  }
0x5e: {  	_ =	shalt  }
0x5f: {  	_ =	shalt  }
0x60: {  	_ =	shalt  }
0x61: {  	_ =	shalt  }
0x62: {  	_ =	shalt  }
0x63: {  	_ =	shalt  }
0x64: {  	_ =	shalt  }
0x65: {  	_ =	shalt  }
0x66: {  	_ =	shalt  }
0x67: {  	_ =	shalt  }
0x68: {  	_ =	shalt  }
0x69: {  	_ =	shalt  }
0x6a: {  	_ =	shalt  }
0x6b: {  	_ =	shalt  }
0x6c: {  	_ =	shalt  }
0x6d: {  	_ =	shalt  }
0x6e: {  	_ =	shalt  }
0x6f: {  	_ =	shalt  }
0x70: {  	_ =	shalt  }
0x71: {  	_ =	shalt  }
0x72: {  	_ =	shalt  }
0x73: {  	_ =	shalt  }
0x74: {  	_ =	shalt  }
0x75: {  	_ =	shalt  }
0x76: {  	_ =	shalt  }
0x77: {  	_ =	shalt  }
0x78: {  	_ =	shalt  }
0x79: {  	_ =	shalt  }
0x7a: {  	_ =	shalt  }
0x7b: {  	_ =	shalt  }
0x7c: {  	_ =	shalt  }
0x7d: {  	_ =	shalt  }
0x7e: {  	_ =	shalt  }
0x7f: {  	_ =	shalt  }
0x80: {  	_ =	shalt  }
0x81: {  	_ =	shalt  }
0x82: {  	_ =	shalt  }
0x83: {  	_ =	shalt  }
0x84: {  	_ =	shalt  }
0x85: {  	_ =	shalt  }
0x86: {  	_ =	shalt  }
0x87: {  	_ =	shalt  }
.Lfunc_end0:
.L_simem_size_0:
called_computation_lowered:
.L_overlay_start_0:
0x88: {  	s2 =	sld [smem:$0x3FD9]  }
0x89: {  	s3 =	sld [smem:$0x3FFE];
	_ =	sdelay $0x1  }
0x8a: {  	s1 =	srdreg.scid  }
0x8b: {  	s0 =	sand.u32 $0x1, s1  }
0x8c: {  	s17 =	sshll.u32 s0, $0xA;
	s2 =	sadd.s32 s3, s2  }
0x8d: {  	s2 =	sadd.s32 s2, s17  }
0x8e: {  	[smem:$0x3FC0] =	sst s2  }
0x8f: {  	_ = 	snop  }
0x90: {  	s2 =	sld [smem:$0x3FD0];
	(tm) =	ssettm $0x1  }
0x91: {  	s18 =	sld [smem:$0x3FFB];
	_ =	sdelay $0x3  }
0x92: {  	_ =	strace s18  }
0x93: {  	s3 =	sld [smem:$0x3FFC];
	_ =	sdelay $0x3  }
0x94: {  	_ =	strace s3  }
0x95: {  	s3 =	sld [smem:$0x3FFD];
	_ =	sdelay $0x3  }
0x96: {  	_ =	strace s3  }
0x97: {  	_ =	strace $0x8FFFFFFF  }
0x98: {  	s19 =	sld [smem:$0x3FDB];
	_ =	sdelay $0x1  }
0x99: {  	s4 =	simm.s32 $_scs_section_size  }
0x9a: {  	s5 =	simm.s32 $_size__tile_overlayer_lowered;
	s6 =	simm.s32 $_tile_overlayer_lowered  }
0x9b: {  	s22 =	simm.s32 $0x1BFF;
	s21 =	sshll.u32 s6, $0x1;
	s3 =	sadd.s32 s4, s19  }
0x9c: {  	s7 =	simm.s32 $0x0;
	s20 =	sshll.u32 s5, $0x1;
	s5 =	sadd.s32 s21, s3  }
0x9d: {  	[timem:s7], [sflag:s22] =	dma.local [hbm:s5], s20  }
0x9e: {  	_ =	swait.ge [sflag:s22], s20  }
0x9f: {  	s4 =	ssub.s32 $0x0, s20;
	[sflag:s22] =	ssyncset.done $0x0  }
0xa0: {  	[sflag:s22] =	ssyncadd.s32 s4;
	_ =	sdelay $0x1  }
0xa1: {  	s23 =	simm.s32 $0x1B8B  }
0xa2: {  	_ =	swait.ge [sflag:s23], $0x1  }
0xa3: {  	[sflag:s23] =	ssyncset.done $0x0  }
0xa4: {  	s25 =	simm.s32 $0x1B8E;
	s24 =	sld [smem:$0x3FFE];
	[sflag:s23] =	ssyncadd.s32 $0xFFFFFFFF  }
0xa5: {  	s26 =	simm.s32 $execute0_lowered;
	[smem:$0x3FD2] =	sst s25  }
0xa6: {  	s5 =	sshll.u32 s26, $0x1;
	_ =	strace $0x80000046;
	[dreg:$0x1] =	wrdreg $0xFFFFFFFF  }
0xa7: {  	s28 =	simm.s32 $_size_execute0_lowered;
	s3 =	sadd.s32 s3, s5;
	[dreg:$0x0] =	wrdreg $0x0  }
0xa8: {  	s5 =	sshll.u32 s28, $0x1;
	[dreg:$0x2] =	wrdreg s3  }
0xa9: {  	[dreg:$0x3] =	wrdreg s5  }
0xaa: {  	[dreg:$0x4] =	wrdreg $0xC0  }
0xab: {  	_ =	task [dreg:s7], $0x5FFFF  }
0xac: {  	[dreg:$0x1] =	wrdreg $0xFFFFFFFF  }
0xad: {  	[dreg:$0x0] =	wrdreg $0x60  }
0xae: {  	[dreg:$0x2] =	wrdreg s24  }
0xaf: {  	[dreg:$0x3] =	wrdreg s2  }
0xb0: {  	[dreg:$0x4] =	wrdreg $0x37800  }
0xb1: {  	[dreg:$0x5] =	wrdreg $0x38000  }
0xb2: {  	[dreg:$0x6] =	wrdreg $0x9  }
0xb3: {  	_ =	task.clear_ibuf [dreg:s7], $0x7FFFF;
	_ =	strace $0x90000046  }
0xb4: {  	s29 =	simm.s32 $0x9;
	_ =	strace $0x80000048  }
0xb5: {  	_ =	swait.ge [sflag:s29], $0x1  }
0xb6: {  	[sflag:s29] =	ssyncadd.s32 $0xFFFFFFFF  }
0xb7: {  	_ =	strace $0x90000048  }
0xb8: {  	_ =	sfence  }
0xb9: {  	s30 =	sld [smem:$0x0];
	_ =	sdelay $0x2  }
0xba: {  	s31 =	sshll.u32 s1, $0xD;
	s1 =	sshrl.u32 s1, $0x2  }
0xbb: {  	s3 =	sand.u32 $0x4000, s31;
	s1 =	sadd.s32 s1, s30  }
0xbc: {  	s0 =	sor.u32 s3, s0;
	s1 =	sshll.u32 s1, $0x11  }
0xbd: {  	s0 =	sor.u32 s1, s0  }
0xbe: {  	s0 =	sadd.s32 $0x8F2B, s0  }
0xbf: {  	[sflag:s0] =	ssyncadd.remote.s32 $0x1  }
0xc0: {  	_ =	sfence.sel $0xFFFF  }
0xc1: {  	[dreg:$0x0] =	wrdreg $0xFFFFFFFF;
	(pc) =	sbr.abs _section_cstart, $3  }
0xc2: {  	[dreg:$0x1] =	wrdreg $0xFFFFFFFF  }
0xc3: {  	_ =	task.clear_ibuf [dreg:s7], $0x2FFFF;
	_ =	strace $0x9FFFFFFF  }
0xc4: {  	(tm) =	ssettm $0x7FFFFFFF  }
0xc5: {  	_ =	shalt  }
tec
execute0_lowered:
.L_overlay_start_1:
0x0: {  	(tag) =	ssettag $0x1  }
0x1: {  	s6 =	rddreg [dreg:$0x0]  }
0x2: {  	s1 =	srdreg.scid;
	s0 =	rddreg [dreg:$0x1]  }
0x3: {  	s18 =	stileid.u32;
	s2 =	rddreg [dreg:$0x2]  }
0x4: {  	s3 =	rddreg [dreg:$0x3];
	s4 =	simm.s32 $0x0;
	s14 =	simm.s32 $0x2F80  }
0x5: {  	s15 =	simm.s32 $0x1;
	s16 =	simm.s32 $0x2780;
	s17 =	simm.s32 $0x80  }
0x6: {  	s20 =	simm.s32 $0x0;
	s5 =	sand.u32 $0x1, s1;
	s9 =	smul.u32 $0x2800, s18  }
0x7: {  	s31 =	sshll.u32 s18, $0x1;
	[smem:$0x7FF] =	sst s4;
	s11 =	smul.u32 $0xA000, s18  }
0x8: {  	p0 =	sne.s32 s18, $0x0;
	s18 =	sshll.u32 s18, $0x6;
	s1 =	sor.u32 s5, s31  }
0x9: {  	s8 =	smul.u32 $0x28000, s5;
	s10 =	ssub.s32 $0x2, s5;
	s5 =	sadd.s32 $0x15A00, s6  }
0xa: {  	s18 =	sor.u32 $0x1C01, s18;
	s7 =	smul.u32 $0x4F0, s1;
	s1 =	rddreg [dreg:$0x4]  }
0xb: {  	_ =	strace $0x80000047;
	s12 =	sshrl.u32 s10, $0x1;
	s11 =	sshrl.u32 s11, $0x2  }
0xc: {  	s19 =	sadd.s32 s9, s3;
	s8 =	sadd.s32 s9, s8;
	s10 =	ssub.s32 s10, s12  }
0xd: {  	s19 =	sshrl.u32 s19, $0x3;
	s7 =	sadd.s32 s7, s6;
	s8 =	sshrl.u32 s8, $0x3  }
0xe: {  	s8 =	sadd.s32 s8, s6;
	s6 =	sadd.s32 $0x1E00, s7;
	s7 =	sadd.s32 s11, s3  }
0xf: {  	s9 =	smax.u32 s10, $0x1;
	s8 =	sadd.s32 $0x15C00, s8;
	s10 =	sadd.s32 $0x800, s7  }
0x10: {  	s11 =	sadd.s32 $0x1000, s7;
	s12 =	sadd.s32 $0x1800, s7;
	s13 =	sadd.s32 $0x2000, s7  }
.LBB2_1:
0x11: {  	[tilespmem:s14], [sflag:$0x1] =	stream.linear.gather [hbm4b:s5+s4], $0x800, $0x38;
	[tilespmem:$0x6000] =	vst v63  }
0x12: {  	_ =	swait.ge [sflag:s15], $0x800  }
0x13: {  	[sflag:s15] =	ssyncset.done $0x0  }
0x14: {  	[sflag:s15] =	ssyncadd.s32 $0xFFFFF800  }
0x15: {  	[tilespmem:s16], [sflag:$0x1] =	stream.linear.gather [hbm4b:s0+s4], $0x800, $0x38;
	[tilespmem:$0x6000] =	vst v63  }
0x16: {  	_ =	swait.ge [sflag:s15], $0x800  }
0x17: {  	[sflag:s15] =	ssyncset.done $0x0  }
0x18: {  	s21 =	simm.s32 @!p0 $0x2780;
	[sflag:s15] =	ssyncadd.s32 $0xFFFFF800  }
0x19: {  	[spmem:s2] =	stream.linear.scatter @!p0 [tilespmem:s21], [sflag:$0x1], $0x800, $0x38;
	[tilespmem:$0x6000] =	vst v63  }
0x1a: {  	s21 =	simm.s32 @!p0 $0x1  }
0x1b: {  	_ =	swait.ge @!p0 [sflag:s21], $0x800  }
0x1c: {  	[sflag:s21] =	ssyncset.done @!p0 $0x0  }
0x1d: {  	[sflag:s21] =	ssyncadd.s32 @!p0 $0xFFFFF800  }
0x1e: {  	[tilespmem:s4], [sflag:$0x1] =	stream.linear.gather [hbm4b:s6+s4], $0x2780, $0x38;
	[tilespmem:$0x6000] =	vst v63  }
0x1f: {  	_ =	swait.ge [sflag:s15], $0x2780  }
0x20: {  	[sflag:s15] =	ssyncset.done $0x0  }
0x21: {  	[sflag:s15] =	ssyncadd.s32 $0xFFFFD880  }
0x22: {  	[spmem:s7] =	stream.linear.scatter [tilespmem:s14], [sflag:$0x1], $0x800, $0x38;
	[tilespmem:$0x6000] =	vst v63  }
0x23: {  	_ =	swait.ge [sflag:s15], $0x800  }
0x24: {  	[sflag:s15] =	ssyncset.done $0x0  }
0x25: {  	[sflag:s15] =	ssyncadd.s32 $0xFFFFF800  }
0x26: {  	[spmem:s10] =	stream.linear.scatter [tilespmem:s14], [sflag:$0x1], $0x800, $0x38;
	[tilespmem:$0x6000] =	vst v63  }
0x27: {  	_ =	swait.ge [sflag:s15], $0x800  }
0x28: {  	[sflag:s15] =	ssyncset.done $0x0  }
0x29: {  	[sflag:s15] =	ssyncadd.s32 $0xFFFFF800  }
0x2a: {  	[spmem:s11] =	stream.linear.scatter [tilespmem:s14], [sflag:$0x1], $0x800, $0x38;
	[tilespmem:$0x6000] =	vst v63  }
0x2b: {  	_ =	swait.ge [sflag:s15], $0x800  }
0x2c: {  	[sflag:s15] =	ssyncset.done $0x0  }
0x2d: {  	[sflag:s15] =	ssyncadd.s32 $0xFFFFF800  }
0x2e: {  	[spmem:s12] =	stream.linear.scatter [tilespmem:s14], [sflag:$0x1], $0x800, $0x38;
	[tilespmem:$0x6000] =	vst v63  }
0x2f: {  	_ =	swait.ge [sflag:s15], $0x800  }
0x30: {  	[sflag:s15] =	ssyncset.done $0x0  }
0x31: {  	[sflag:s15] =	ssyncadd.s32 $0xFFFFF800  }
0x32: {  	[spmem:s13] =	stream.linear.scatter [tilespmem:s14], [sflag:$0x1], $0x800, $0x38;
	[tilespmem:$0x6000] =	vst v63  }
0x33: {  	_ =	swait.ge [sflag:s15], $0x800  }
0x34: {  	[sflag:s15] =	ssyncset.done $0x0  }
0x35: {  	[sflag:s15] =	ssyncadd.s32 $0xFFFFF800  }
0x36: {  	[bflag:$0x0] =	sbarrier.arrive $0xFFFF  }
0x37: {  	[tilespmem:s16], [sflag:$0x1] =	stream.linear.gather [spmem:s2], $0x800, $0x38;
	[tilespmem:$0x6000] =	vst v63  }
0x38: {  	_ =	swait.ge [sflag:s15], $0x800  }
0x39: {  	[sflag:s15] =	ssyncset.done $0x0  }
0x3a: {  	s31 =	simm.s32 $0x0;
	[sflag:s15] =	ssyncadd.s32 $0xFFFFF800  }
0x3b: {  	[spmem:s3] =	stream.indirect.scatter.add.f32 [tilespmem:s16], [sflag:$0x1], $0x10, s31, s17, $0xb8;
	[tilespmem:$0x6000] =	vst v63  }
0x3c: {  	_ =	swait.ge [sflag:s15], $0x800  }
0x3d: {  	s21 =	simm.s32 $0x200;
	[sflag:s15] =	ssyncset.done $0x0  }
.LBB2_2:
0x3e: {  	p1 =	sne.s32 s21, $0x9C00  }
0x3f: {  	[sflag:s15] =	ssyncadd.s32 $0xFFFFF800;
	s22 =	smov.u32 s21;
	s21 =	sadd.s32 $0x200, s21  }
0x40: {  	[tilespmem:s16], [sflag:$0x1] =	stream.linear.gather [spmem:s2], $0x800, $0x38;
	[tilespmem:$0x6000] =	vst v63  }
0x41: {  	_ =	swait.ge [sflag:s15], $0x800  }
.Ltmp0:
0x42: {  	[sflag:s15] =	ssyncset.done $0x0;
	(pc) =	sbr.rel @p1 .LBB2_2-.Ltmp0, $4  }
0x43: {  	s22 =	sshra.s32 s22, $0x2;
	[sflag:s15] =	ssyncadd.s32 $0xFFFFF800  }
0x44: {  	[spmem:s3] =	stream.indirect.scatter.add.f32 [tilespmem:s16], [sflag:$0x1], $0x10, s22, s17, $0xb8;
	[tilespmem:$0x6000] =	vst v63  }
0x45: {  	_ =	swait.ge [sflag:s15], $0x800  }
0x46: {  	[sflag:s15] =	ssyncset.done $0x0  }
0x47: {  	s20 =	sadd.s32 $0x1, s20  }
0x48: {  	[sflag:s15] =	ssyncadd.s32 $0xFFFFF800;
	p1 =	sne.s32 s20, s9  }
.Ltmp1:
0x49: {  	[bflag:$0x0] =	sbarrier.arrive $0xFFFF;
	(pc) =	sbr.rel @p1 .LBB2_1-.Ltmp1, $4  }
0x4a: {  	[hbm:s8], [sflag:s18] =	dma.local [spmem:s19], $0x500  }
0x4b: {  	_ =	swait.ge [sflag:s15], $0x500  }
0x4c: {  	[sflag:s15] =	ssyncset.done $0x0  }
0x4d: {  	[sflag:s15] =	ssyncadd.s32 $0xFFFFFB00  }
0x4e: {  	_ =	sfence.sel $0x180000  }
0x4f: {  	[bflag:$0x0] =	sbarrier.arrive $0xFFFF  }
0x50: {  	_ =	strace $0x90000047  }
0x51: {  	s0 =	sadd.s32 @!p0 $0x100000, s1;
	[bflag:$0x2] =	sbarrier.arrive $0xFFFF  }
0x52: {  	[sflag:s0] =	ssyncadd.tile.s32 @!p0 $0x1;
	_ =	shalt  }
.Lfunc_end2:
_tile_overlayer_lowered:
.L_overlay_start_2:
0x53: {  	(tag) =	ssettag $0x2  }
0x54: {  	s0 =	rddreg [dreg:$0x0];
	s2 =	stileid.u32  }
0x55: {  	s1 =	rddreg [dreg:$0x1];
	p0 =	sne.s32 s2, $0x0  }
0x56: {  	s3 =	rddreg [dreg:$0x2];
	[bflag:$0x3] =	sbarrier.arrive $0xFFFF;
	s2 =	simm.s32 @!p0 $0x1C01  }
0x57: {  	[timem:s3], [sflag:s2] =	dma.local @!p0 [hbm:s0], s1  }
0x58: {  	s0 =	simm.s32 @!p0 $0x1  }
0x59: {  	_ =	swait.ge @!p0 [sflag:s0], s1  }
0x5a: {  	s1 =	ssub.s32 @!p0 $0x0, s1;
	[sflag:s0] =	ssyncset.done @!p0 $0x0  }
0x5b: {  	[sflag:s0] =	ssyncadd.s32 @!p0 s1  }
0x5c: {  	[bflag:$0x3] =	sbarrier.arrive $0xFFFF  }
0x5d: {  	_ =	shalt  }

// kernel: kernel.14.cloned.1.call-start
scs
__scs_entry_jumppad:
0x0: {  	(pc) =	sbr.rel $0x88, $3  }
0x1: {  	(tag) =	ssettag $0x0;
	lr =	simm.s32 $0x1  }
0x2: {  	[smem:$0x3F99] =	sst lr;
	_ =	strace $0xD0000000  }
0x3: {  	_ = 	snop  }
0x4: {  	_ = 	snop  }
0x5: {  	_ = 	snop  }
0x6: {  	_ = 	snop  }
0x7: {  	_ = 	snop  }
__scs_overlays_trampoline_lowered:
0x8: {  	[smem:$0x3FA8] =	sst s0  }
0x9: {  	[smem:$0x3FA9] =	sst s1  }
0xa: {  	[smem:$0x3FAA] =	sst s2  }
0xb: {  	[smem:$0x3FAB] =	sst s3  }
0xc: {  	[smem:$0x3FAC] =	sst s4  }
0xd: {  	[smem:$0x3FAD] =	sst s5  }
0xe: {  	[smem:$0x3FAE] =	sst s6  }
0xf: {  	[smem:$0x3FAF] =	sst s7  }
0x10: {  	[smem:$0x3FB0] =	sst s8  }
0x11: {  	[smem:$0x3FB1] =	sst s9;
	s0 =	simm.s32 @!p0 $0x0  }
0x12: {  	s1 =	sld [smem:$0x3F97];
	s0 =	simm.s32 @p0 $0x1  }
0x13: {  	[smem:$0x3FB2] =	sst s0;
	s0 =	simm.s32 @!p1 $0x0  }
0x14: {  	s2 =	sld [smem:$0x3F96];
	s0 =	simm.s32 @p1 $0x1  }
0x15: {  	[smem:$0x3FB3] =	sst s0;
	s0 =	simm.s32 @!p2 $0x0  }
0x16: {  	s3 =	sld [smem:$0x3FDB];
	s0 =	simm.s32 @p2 $0x1  }
0x17: {  	s4 =	simm.s32 $0x1BF5;
	[smem:$0x3FB5] =	sst s0  }
0x18: {  	s0 =	sld [smem:$0x3F98];
	_ =	swait.ge [sflag:s4], $0x0  }
0x19: {  	s7 =	sld [smem:$0x3F99]  }
0x1a: {  	s8 =	sadd.s32 $0xFFFFE003, lr  }
0x1b: {  	s9 =	sadd.s32 $0xFFFFFEF7, lr;
	s5 =	simm.s32 $0xFFFFFFFF;
	p2 =	slt.u32 s8, $0xFFFFF086  }
0x1c: {  	p1 =	slt.u32 s9, $0xF7A;
	s5 =	simm.s32 @!p2 $0x0  }
0x1d: {  	s5 =	simm.s32 @p1 $0x1;
	p0 =	seq.s32 s7, s2  }
0x1e: {  	s7 =	smul.u32 @!p0 $0xF7A, s2;
	p2 =	seq.s32 @!p0 s5, $0x0  }
0x1f: {  	s9 =	smul.u32 $0xF7A, s1;
	s8 =	simm.s32 @!p0 $0x1BF5;
	p2 =	por !p2, p0  }
0x20: {  	[sflag:s8] =	ssyncset.s32 @!p0 $0xFFFFF086;
	s6 =	sadd.s32 @!p0 s3, s7;
	s7 =	simm.s32 @!p0 $0x108  }
0x21: {  	s3 =	sadd.s32 s3, s9;
	s6 =	sadd.s32 @!p0 $0x88, s6;
	s7 =	simm.s32 @p2 $0x1082  }
0x22: {  	[simem:s7], [sflag:s8] =	dma.local @!p0 [hbm:s6], $0xF7A  }
0x23: {  	s9 =	sor.u32 $0xD0000000, s2;
	s6 =	simm.s32 $0x108;
	_ =	swait.ge @!p0 [sflag:s8], $0x0  }
0x24: {  	s3 =	sadd.s32 $0x88, s3;
	s6 =	simm.s32 @!p1 $0x1082;
	[sflag:s4] =	ssyncset.s32 $0xFFFFF086  }
0x25: {  	[simem:s6], [sflag:s4] =	dma.local [hbm:s3], $0xF7A  }
0x26: {  	[smem:$0x3F99] =	sst s1;
	(tag) =	ssettag s2;
	_ =	strace s9  }
0x27: {  	s1 =	sld [smem:$0x3FA9]  }
0x28: {  	s2 =	sld [smem:$0x3FAA]  }
0x29: {  	s4 =	sld [smem:$0x3FAC]  }
0x2a: {  	p0 =	seq.s32 s5, $0x0;
	s5 =	sld [smem:$0x3FAD]  }
0x2b: {  	s6 =	sld [smem:$0x3FAE]  }
0x2c: {  	s7 =	sld [smem:$0x3FAF]  }
0x2d: {  	s3 =	simm.s32 $0x108;
	s8 =	sld [smem:$0x3FB0]  }
0x2e: {  	s3 =	simm.s32 @!p0 $0x1082;
	s9 =	sld [smem:$0x3FB1]  }
0x2f: {  	lr =	sadd.s32 s0, s3;
	s0 =	sld [smem:$0x3FA8]  }
0x30: {  	s3 =	sld [smem:$0x3FAB]  }
0x31: {  	[smem:$0x3FB4] =	sst s10  }
0x32: {  	s10 =	sld [smem:$0x3FB2];
	_ =	sdelay $0x3  }
0x33: {  	p0 =	seq.s32 s10, $0x1;
	s10 =	sld [smem:$0x3FB4];
	_ =	sdelay $0x3  }
0x34: {  	[smem:$0x3FB4] =	sst s10  }
0x35: {  	s10 =	sld [smem:$0x3FB3];
	_ =	sdelay $0x3  }
0x36: {  	p1 =	seq.s32 s10, $0x1;
	s10 =	sld [smem:$0x3FB4];
	_ =	sdelay $0x3  }
0x37: {  	[smem:$0x3FB4] =	sst s10  }
0x38: {  	s10 =	sld [smem:$0x3FB5]  }
0x39: {  	_ = 	snop;
	(pc) =	sbr.ind lr, $3  }
0x3a: {  	_ = 	snop  }
0x3b: {  	_ = 	snop  }
0x3c: {  	p2 =	seq.s32 s10, $0x1;
	s10 =	sld [smem:$0x3FB4]  }
0x3d: {  	_ =	shalt  }
0x3e: {  	_ =	shalt  }
0x3f: {  	_ =	shalt  }
0x40: {  	_ =	shalt  }
0x41: {  	_ =	shalt  }
0x42: {  	_ =	shalt  }
0x43: {  	_ =	shalt  }
0x44: {  	_ =	shalt  }
0x45: {  	_ =	shalt  }
0x46: {  	_ =	shalt  }
0x47: {  	_ =	shalt  }
0x48: {  	_ =	shalt  }
0x49: {  	_ =	shalt  }
0x4a: {  	_ =	shalt  }
0x4b: {  	_ =	shalt  }
0x4c: {  	_ =	shalt  }
0x4d: {  	_ =	shalt  }
0x4e: {  	_ =	shalt  }
0x4f: {  	_ =	shalt  }
0x50: {  	_ =	shalt  }
0x51: {  	_ =	shalt  }
0x52: {  	_ =	shalt  }
0x53: {  	_ =	shalt  }
0x54: {  	_ =	shalt  }
0x55: {  	_ =	shalt  }
0x56: {  	_ =	shalt  }
0x57: {  	_ =	shalt  }
0x58: {  	_ =	shalt  }
0x59: {  	_ =	shalt  }
0x5a: {  	_ =	shalt  }
0x5b: {  	_ =	shalt  }
0x5c: {  	_ =	shalt  }
0x5d: {  	_ =	shalt  }
0x5e: {  	_ =	shalt  }
0x5f: {  	_ =	shalt  }
0x60: {  	_ =	shalt  }
0x61: {  	_ =	shalt  }
0x62: {  	_ =	shalt  }
0x63: {  	_ =	shalt  }
0x64: {  	_ =	shalt  }
0x65: {  	_ =	shalt  }
0x66: {  	_ =	shalt  }
0x67: {  	_ =	shalt  }
0x68: {  	_ =	shalt  }
0x69: {  	_ =	shalt  }
0x6a: {  	_ =	shalt  }
0x6b: {  	_ =	shalt  }
0x6c: {  	_ =	shalt  }
0x6d: {  	_ =	shalt  }
0x6e: {  	_ =	shalt  }
0x6f: {  	_ =	shalt  }
0x70: {  	_ =	shalt  }
0x71: {  	_ =	shalt  }
0x72: {  	_ =	shalt  }
0x73: {  	_ =	shalt  }
0x74: {  	_ =	shalt  }
0x75: {  	_ =	shalt  }
0x76: {  	_ =	shalt  }
0x77: {  	_ =	shalt  }
0x78: {  	_ =	shalt  }
0x79: {  	_ =	shalt  }
0x7a: {  	_ =	shalt  }
0x7b: {  	_ =	shalt  }
0x7c: {  	_ =	shalt  }
0x7d: {  	_ =	shalt  }
0x7e: {  	_ =	shalt  }
0x7f: {  	_ =	shalt  }
0x80: {  	_ =	shalt  }
0x81: {  	_ =	shalt  }
0x82: {  	_ =	shalt  }
0x83: {  	_ =	shalt  }
0x84: {  	_ =	shalt  }
0x85: {  	_ =	shalt  }
0x86: {  	_ =	shalt  }
0x87: {  	_ =	shalt  }
.Lfunc_end0:
.L_simem_size_0:
called_computation.1_lowered:
.L_overlay_start_0:
0x88: {  	s2 =	sld [smem:$0x3FD9]  }
0x89: {  	s3 =	sld [smem:$0x3FFE];
	_ =	sdelay $0x1  }
0x8a: {  	s1 =	srdreg.scid  }
0x8b: {  	s0 =	sand.u32 $0x1, s1  }
0x8c: {  	s17 =	sshll.u32 s0, $0xA;
	s2 =	sadd.s32 s3, s2  }
0x8d: {  	s2 =	sadd.s32 s2, s17  }
0x8e: {  	[smem:$0x3FC0] =	sst s2  }
0x8f: {  	_ = 	snop  }
0x90: {  	s2 =	sld [smem:$0x3FD0];
	(tm) =	ssettm $0x1  }
0x91: {  	s18 =	sld [smem:$0x3FFB];
	_ =	sdelay $0x3  }
0x92: {  	_ =	strace s18  }
0x93: {  	s3 =	sld [smem:$0x3FFC];
	_ =	sdelay $0x3  }
0x94: {  	_ =	strace s3  }
0x95: {  	s3 =	sld [smem:$0x3FFD];
	_ =	sdelay $0x3  }
0x96: {  	_ =	strace s3  }
0x97: {  	_ =	strace $0x8FFFFFFF  }
0x98: {  	s19 =	sld [smem:$0x3FDB];
	_ =	sdelay $0x1  }
0x99: {  	s4 =	simm.s32 $_scs_section_size  }
0x9a: {  	s5 =	simm.s32 $_size__tile_overlayer_lowered;
	s6 =	simm.s32 $_tile_overlayer_lowered  }
0x9b: {  	s22 =	simm.s32 $0x1BFF;
	s21 =	sshll.u32 s6, $0x1;
	s3 =	sadd.s32 s4, s19  }
0x9c: {  	s7 =	simm.s32 $0x0;
	s20 =	sshll.u32 s5, $0x1;
	s5 =	sadd.s32 s21, s3  }
0x9d: {  	[timem:s7], [sflag:s22] =	dma.local [hbm:s5], s20  }
0x9e: {  	_ =	swait.ge [sflag:s22], s20  }
0x9f: {  	s4 =	ssub.s32 $0x0, s20;
	[sflag:s22] =	ssyncset.done $0x0  }
0xa0: {  	[sflag:s22] =	ssyncadd.s32 s4;
	_ =	sdelay $0x1  }
0xa1: {  	s23 =	simm.s32 $0x1B8B  }
0xa2: {  	_ =	swait.ge [sflag:s23], $0x1  }
0xa3: {  	[sflag:s23] =	ssyncset.done $0x0  }
0xa4: {  	s25 =	simm.s32 $0x1B8E;
	s24 =	sld [smem:$0x3FFE];
	[sflag:s23] =	ssyncadd.s32 $0xFFFFFFFF  }
0xa5: {  	s26 =	simm.s32 $execute0_lowered;
	[smem:$0x3FD2] =	sst s25  }
0xa6: {  	s5 =	sshll.u32 s26, $0x1;
	_ =	strace $0x80000049;
	[dreg:$0x1] =	wrdreg $0xFFFFFFFF  }
0xa7: {  	s28 =	simm.s32 $_size_execute0_lowered;
	s3 =	sadd.s32 s3, s5;
	[dreg:$0x0] =	wrdreg $0x0  }
0xa8: {  	s5 =	sshll.u32 s28, $0x1;
	[dreg:$0x2] =	wrdreg s3  }
0xa9: {  	[dreg:$0x3] =	wrdreg s5  }
0xaa: {  	[dreg:$0x4] =	wrdreg $0xC0  }
0xab: {  	_ =	task [dreg:s7], $0x5FFFF  }
0xac: {  	[dreg:$0x1] =	wrdreg $0xFFFFFFFF  }
0xad: {  	[dreg:$0x0] =	wrdreg $0x60  }
0xae: {  	[dreg:$0x2] =	wrdreg s24  }
0xaf: {  	[dreg:$0x3] =	wrdreg s2  }
0xb0: {  	[dreg:$0x4] =	wrdreg $0x6F000  }
0xb1: {  	[dreg:$0x5] =	wrdreg $0xBF000  }
0xb2: {  	[dreg:$0x6] =	wrdreg $0x9  }
0xb3: {  	_ =	task.clear_ibuf [dreg:s7], $0x7FFFF;
	_ =	strace $0x90000049  }
0xb4: {  	s29 =	simm.s32 $0x9;
	_ =	strace $0x8000004B  }
0xb5: {  	_ =	swait.ge [sflag:s29], $0x1  }
0xb6: {  	[sflag:s29] =	ssyncadd.s32 $0xFFFFFFFF  }
0xb7: {  	_ =	strace $0x9000004B  }
0xb8: {  	_ =	sfence  }
0xb9: {  	s30 =	sld [smem:$0x0];
	_ =	sdelay $0x2  }
0xba: {  	s31 =	sshll.u32 s1, $0xD;
	s1 =	sshrl.u32 s1, $0x2  }
0xbb: {  	s3 =	sand.u32 $0x4000, s31;
	s1 =	sadd.s32 s1, s30  }
0xbc: {  	s0 =	sor.u32 s3, s0;
	s1 =	sshll.u32 s1, $0x11  }
0xbd: {  	s0 =	sor.u32 s1, s0  }
0xbe: {  	s0 =	sadd.s32 $0x8F2B, s0  }
0xbf: {  	[sflag:s0] =	ssyncadd.remote.s32 $0x1  }
0xc0: {  	_ =	sfence.sel $0xFFFF  }
0xc1: {  	[dreg:$0x0] =	wrdreg $0xFFFFFFFF;
	(pc) =	sbr.abs _section_cstart, $3  }
0xc2: {  	[dreg:$0x1] =	wrdreg $0xFFFFFFFF  }
0xc3: {  	_ =	task.clear_ibuf [dreg:s7], $0x2FFFF;
	_ =	strace $0x9FFFFFFF  }
0xc4: {  	(tm) =	ssettm $0x7FFFFFFF  }
0xc5: {  	_ =	shalt  }
tec
execute0_lowered:
.L_overlay_start_1:
0x0: {  	(tag) =	ssettag $0x1  }
0x1: {  	s6 =	rddreg [dreg:$0x0]  }
0x2: {  	s2 =	rddreg [dreg:$0x1]  }
0x3: {  	s3 =	rddreg [dreg:$0x2]  }
0x4: {  	s4 =	rddreg [dreg:$0x3]  }
0x5: {  	s0 =	rddreg [dreg:$0x4]  }
0x6: {  	s1 =	stileid.u32;
	s5 =	srdreg.scid  }
0x7: {  	s16 =	simm.s32 $0x5F00;
	s17 =	simm.s32 $0x1;
	s20 =	simm.s32 $0x2780  }
0x8: {  	s21 =	simm.s32 $0x80;
	s22 =	simm.s32 $0x4F00;
	s24 =	simm.s32 $0x0  }
0x9: {  	s11 =	smul.u32 $0x5000, s1;
	s7 =	sand.u32 $0x1, s5;
	s8 =	sshll.u32 s1, $0x1  }
0xa: {  	s5 =	simm.s32 $0x0;
	s31 =	smul.u32 $0x14000, s1;
	s18 =	sshll.u32 s1, $0x6  }
0xb: {  	s8 =	sor.u32 s7, s8;
	s9 =	smul.u32 $0x50000, s7;
	[smem:$0x7FF] =	sst s5  }
0xc: {  	s7 =	ssub.s32 $0x2, s7;
	s18 =	sor.u32 $0x1C01, s18;
	s10 =	sshrl.u32 s11, $0x3  }
0xd: {  	s8 =	smul.u32 $0x4F0, s8;
	_ =	strace $0x8000004A;
	s30 =	sshrl.u32 s7, $0x1  }
0xe: {  	s19 =	sadd.s32 s11, s3;
	s23 =	sadd.s32 s11, s4;
	s10 =	sadd.s32 s10, s6  }
0xf: {  	s9 =	sadd.s32 s11, s9;
	s13 =	ssub.s32 s7, s30;
	s19 =	sshrl.u32 s19, $0x3  }
0x10: {  	s23 =	sshrl.u32 s23, $0x3;
	s8 =	sadd.s32 s8, s6;
	s9 =	sshrl.u32 s9, $0x3  }
0x11: {  	s11 =	smax.u32 s13, $0x1;
	s12 =	sadd.s32 s9, s6;
	s9 =	sshrl.u32 s31, $0x2  }
0x12: {  	s6 =	sadd.s32 $0x15C00, s10;
	s7 =	sadd.s32 $0xBC00, s8;
	s9 =	sadd.s32 s9, s4  }
0x13: {  	s8 =	sadd.s32 $0x1E00, s8;
	s10 =	sadd.s32 $0x1FC00, s12;
	s12 =	sadd.s32 $0x1000, s9  }
0x14: {  	s13 =	sadd.s32 $0x2000, s9;
	s14 =	sadd.s32 $0x3000, s9;
	s15 =	sadd.s32 $0x4000, s9  }
.LBB2_1:
0x15: {  	[tilespmem:s16], [sflag:$0x1] =	stream.linear.gather [hbm4b:s2+s5], $0x1000, $0x38;
	[tilespmem:$0x10F00] =	vst v63  }
0x16: {  	_ =	swait.ge [sflag:s17], $0x1000  }
0x17: {  	[sflag:s17] =	ssyncset.done $0x0  }
0x18: {  	[sflag:s17] =	ssyncadd.s32 $0xFFFFF000  }
0x19: {  	[spmem:s19], [sflag:s18] =	dma.local [hbm:s6], $0xA00  }
0x1a: {  	_ =	swait.ge [sflag:s17], $0xA00  }
0x1b: {  	[sflag:s17] =	ssyncset.done $0x0  }
0x1c: {  	[sflag:s17] =	ssyncadd.s32 $0xFFFFF600  }
0x1d: {  	[tilespmem:s5], [sflag:$0x1] =	stream.linear.gather [hbm4b:s7+s5], $0x2780, $0x38;
	[tilespmem:$0x10F00] =	vst v63  }
0x1e: {  	_ =	swait.ge [sflag:s17], $0x2780  }
0x1f: {  	[sflag:s17] =	ssyncset.done $0x0  }
0x20: {  	[sflag:s17] =	ssyncadd.s32 $0xFFFFD880  }
0x21: {  	[tilespmem:s20], [sflag:$0x1] =	stream.linear.gather [hbm4b:s8+s5], $0x2780, $0x38;
	[tilespmem:$0x10F00] =	vst v63  }
0x22: {  	_ =	swait.ge [sflag:s17], $0x2780  }
0x23: {  	[sflag:s17] =	ssyncset.done $0x0  }
0x24: {  	[sflag:s17] =	ssyncadd.s32 $0xFFFFD880  }
0x25: {  	[spmem:s9] =	stream.linear.scatter [tilespmem:s16], [sflag:$0x1], $0x1000, $0x38;
	[tilespmem:$0x10F00] =	vst v63  }
0x26: {  	_ =	swait.ge [sflag:s17], $0x1000  }
0x27: {  	[sflag:s17] =	ssyncset.done $0x0  }
0x28: {  	[sflag:s17] =	ssyncadd.s32 $0xFFFFF000  }
0x29: {  	[spmem:s12] =	stream.linear.scatter [tilespmem:s16], [sflag:$0x1], $0x1000, $0x38;
	[tilespmem:$0x10F00] =	vst v63  }
0x2a: {  	_ =	swait.ge [sflag:s17], $0x1000  }
0x2b: {  	[sflag:s17] =	ssyncset.done $0x0  }
0x2c: {  	[sflag:s17] =	ssyncadd.s32 $0xFFFFF000  }
0x2d: {  	[spmem:s13] =	stream.linear.scatter [tilespmem:s16], [sflag:$0x1], $0x1000, $0x38;
	[tilespmem:$0x10F00] =	vst v63  }
0x2e: {  	_ =	swait.ge [sflag:s17], $0x1000  }
0x2f: {  	[sflag:s17] =	ssyncset.done $0x0  }
0x30: {  	[sflag:s17] =	ssyncadd.s32 $0xFFFFF000  }
0x31: {  	[spmem:s14] =	stream.linear.scatter [tilespmem:s16], [sflag:$0x1], $0x1000, $0x38;
	[tilespmem:$0x10F00] =	vst v63  }
0x32: {  	_ =	swait.ge [sflag:s17], $0x1000  }
0x33: {  	[sflag:s17] =	ssyncset.done $0x0  }
0x34: {  	[sflag:s17] =	ssyncadd.s32 $0xFFFFF000  }
0x35: {  	[spmem:s15] =	stream.linear.scatter [tilespmem:s16], [sflag:$0x1], $0x1000, $0x38;
	[tilespmem:$0x10F00] =	vst v63  }
0x36: {  	_ =	swait.ge [sflag:s17], $0x1000  }
0x37: {  	[sflag:s17] =	ssyncset.done $0x0  }
0x38: {  	[sflag:s17] =	ssyncadd.s32 $0xFFFFF000  }
0x39: {  	s25 =	simm.s32 $0x0;
	[bflag:$0x0] =	sbarrier.arrive $0xFFFF  }
0x3a: {  	[tilespmem:s22], [sflag:$0x1] =	stream.indirect.gather [spmem:s3], $0x20, s25, s21, $0xb8;
	[tilespmem:$0x10F00] =	vst v63  }
0x3b: {  	_ =	swait.ge [sflag:s17], $0x1000  }
0x3c: {  	[sflag:s17] =	ssyncset.done $0x0  }
0x3d: {  	s31 =	simm.s32 $0x2780;
	[sflag:s17] =	ssyncadd.s32 $0xFFFFF000  }
0x3e: {  	[spmem:s4] =	stream.indirect.scatter.add.f32 [tilespmem:s22], [sflag:$0x1], $0x20, s31, s21, $0xb8;
	[tilespmem:$0x10F00] =	vst v63  }
0x3f: {  	_ =	swait.ge [sflag:s17], $0x1000  }
0x40: {  	s26 =	simm.s32 $0x400;
	s25 =	simm.s32 $0x200;
	[sflag:s17] =	ssyncset.done $0x0  }
.LBB2_2:
0x41: {  	s28 =	sshra.s32 s25, $0x2  }
0x42: {  	[sflag:s17] =	ssyncadd.s32 $0xFFFFF000;
	s25 =	smov.u32 s26;
	s29 =	sadd.s32 $0x200, s26  }
0x43: {  	[tilespmem:s22], [sflag:$0x1] =	stream.indirect.gather [spmem:s3], $0x20, s28, s21, $0xb8;
	[tilespmem:$0x10F00] =	vst v63  }
0x44: {  	p0 =	sne.s32 s26, $0x9C00;
	_ =	swait.ge [sflag:s17], $0x1000  }
.Ltmp0:
0x45: {  	[sflag:s17] =	ssyncset.done $0x0;
	(pc) =	sbr.rel @p0 .LBB2_2-.Ltmp0, $4  }
0x46: {  	s26 =	sadd.s32 $0x2780, s28;
	[sflag:s17] =	ssyncadd.s32 $0xFFFFF000  }
0x47: {  	[spmem:s4] =	stream.indirect.scatter.add.f32 [tilespmem:s22], [sflag:$0x1], $0x20, s26, s21, $0xb8;
	[tilespmem:$0x10F00] =	vst v63  }
0x48: {  	_ =	swait.ge [sflag:s17], $0x1000  }
0x49: {  	s26 =	smov.u32 s29;
	[sflag:s17] =	ssyncset.done $0x0  }
0x4a: {  	s25 =	sshra.s32 s25, $0x2;
	[sflag:s17] =	ssyncadd.s32 $0xFFFFF000  }
0x4b: {  	[tilespmem:s22], [sflag:$0x1] =	stream.indirect.gather [spmem:s3], $0x20, s25, s21, $0xb8;
	[tilespmem:$0x10F00] =	vst v63  }
0x4c: {  	_ =	swait.ge [sflag:s17], $0x1000  }
0x4d: {  	[sflag:s17] =	ssyncset.done $0x0  }
0x4e: {  	s25 =	sadd.s32 $0x2780, s25;
	[sflag:s17] =	ssyncadd.s32 $0xFFFFF000  }
0x4f: {  	[spmem:s4] =	stream.indirect.scatter.add.f32 [tilespmem:s22], [sflag:$0x1], $0x20, s25, s21, $0xb8;
	[tilespmem:$0x10F00] =	vst v63  }
0x50: {  	_ =	swait.ge [sflag:s17], $0x1000  }
0x51: {  	s24 =	sadd.s32 $0x1, s24;
	[sflag:s17] =	ssyncset.done $0x0  }
0x52: {  	p0 =	sne.s32 s24, s11;
	[sflag:s17] =	ssyncadd.s32 $0xFFFFF000  }
.Ltmp1:
0x53: {  	[bflag:$0x0] =	sbarrier.arrive $0xFFFF;
	(pc) =	sbr.rel @p0 .LBB2_1-.Ltmp1, $4  }
0x54: {  	[hbm:s10], [sflag:s18] =	dma.local [spmem:s23], $0xA00  }
0x55: {  	_ =	swait.ge [sflag:s17], $0xA00  }
0x56: {  	[sflag:s17] =	ssyncset.done $0x0  }
0x57: {  	[sflag:s17] =	ssyncadd.s32 $0xFFFFF600  }
0x58: {  	_ =	sfence.sel $0x180000  }
0x59: {  	[bflag:$0x0] =	sbarrier.arrive $0xFFFF  }
0x5a: {  	p0 =	sne.s32 s1, $0x0;
	_ =	strace $0x9000004A  }
0x5b: {  	s0 =	sadd.s32 @!p0 $0x100000, s0;
	[bflag:$0x2] =	sbarrier.arrive $0xFFFF  }
0x5c: {  	[sflag:s0] =	ssyncadd.tile.s32 @!p0 $0x1;
	_ =	shalt  }
.Lfunc_end2:
_tile_overlayer_lowered:
.L_overlay_start_2:
0x5d: {  	(tag) =	ssettag $0x2  }
0x5e: {  	s0 =	rddreg [dreg:$0x0];
	s2 =	stileid.u32  }
0x5f: {  	s1 =	rddreg [dreg:$0x1];
	p0 =	sne.s32 s2, $0x0  }
0x60: {  	s3 =	rddreg [dreg:$0x2];
	[bflag:$0x3] =	sbarrier.arrive $0xFFFF;
	s2 =	simm.s32 @!p0 $0x1C01  }
0x61: {  	[timem:s3], [sflag:s2] =	dma.local @!p0 [hbm:s0], s1  }
0x62: {  	s0 =	simm.s32 @!p0 $0x1  }
0x63: {  	_ =	swait.ge @!p0 [sflag:s0], s1  }
0x64: {  	s1 =	ssub.s32 @!p0 $0x0, s1;
	[sflag:s0] =	ssyncset.done @!p0 $0x0  }
0x65: {  	[sflag:s0] =	ssyncadd.s32 @!p0 s1  }
0x66: {  	[bflag:$0x3] =	sbarrier.arrive $0xFFFF  }
0x67: {  	_ =	shalt  }

// kernel: kernel.17.cloned.1.call-start
scs
__scs_entry_jumppad:
0x0: {  	(pc) =	sbr.rel $0x88, $3  }
0x1: {  	(tag) =	ssettag $0x0;
	lr =	simm.s32 $0x1  }
0x2: {  	[smem:$0x3F99] =	sst lr;
	_ =	strace $0xD0000000  }
0x3: {  	_ = 	snop  }
0x4: {  	_ = 	snop  }
0x5: {  	_ = 	snop  }
0x6: {  	_ = 	snop  }
0x7: {  	_ = 	snop  }
__scs_overlays_trampoline_lowered:
0x8: {  	[smem:$0x3FA8] =	sst s0  }
0x9: {  	[smem:$0x3FA9] =	sst s1  }
0xa: {  	[smem:$0x3FAA] =	sst s2  }
0xb: {  	[smem:$0x3FAB] =	sst s3  }
0xc: {  	[smem:$0x3FAC] =	sst s4  }
0xd: {  	[smem:$0x3FAD] =	sst s5  }
0xe: {  	[smem:$0x3FAE] =	sst s6  }
0xf: {  	[smem:$0x3FAF] =	sst s7  }
0x10: {  	[smem:$0x3FB0] =	sst s8  }
0x11: {  	[smem:$0x3FB1] =	sst s9;
	s0 =	simm.s32 @!p0 $0x0  }
0x12: {  	s1 =	sld [smem:$0x3F97];
	s0 =	simm.s32 @p0 $0x1  }
0x13: {  	[smem:$0x3FB2] =	sst s0;
	s0 =	simm.s32 @!p1 $0x0  }
0x14: {  	s2 =	sld [smem:$0x3F96];
	s0 =	simm.s32 @p1 $0x1  }
0x15: {  	[smem:$0x3FB3] =	sst s0;
	s0 =	simm.s32 @!p2 $0x0  }
0x16: {  	s3 =	sld [smem:$0x3FDB];
	s0 =	simm.s32 @p2 $0x1  }
0x17: {  	s4 =	simm.s32 $0x1BF5;
	[smem:$0x3FB5] =	sst s0  }
0x18: {  	s0 =	sld [smem:$0x3F98];
	_ =	swait.ge [sflag:s4], $0x0  }
0x19: {  	s7 =	sld [smem:$0x3F99]  }
0x1a: {  	s8 =	sadd.s32 $0xFFFFE003, lr  }
0x1b: {  	s9 =	sadd.s32 $0xFFFFFEF7, lr;
	s5 =	simm.s32 $0xFFFFFFFF;
	p2 =	slt.u32 s8, $0xFFFFF086  }
0x1c: {  	p1 =	slt.u32 s9, $0xF7A;
	s5 =	simm.s32 @!p2 $0x0  }
0x1d: {  	s5 =	simm.s32 @p1 $0x1;
	p0 =	seq.s32 s7, s2  }
0x1e: {  	s7 =	smul.u32 @!p0 $0xF7A, s2;
	p2 =	seq.s32 @!p0 s5, $0x0  }
0x1f: {  	s9 =	smul.u32 $0xF7A, s1;
	s8 =	simm.s32 @!p0 $0x1BF5;
	p2 =	por !p2, p0  }
0x20: {  	[sflag:s8] =	ssyncset.s32 @!p0 $0xFFFFF086;
	s6 =	sadd.s32 @!p0 s3, s7;
	s7 =	simm.s32 @!p0 $0x108  }
0x21: {  	s3 =	sadd.s32 s3, s9;
	s6 =	sadd.s32 @!p0 $0x88, s6;
	s7 =	simm.s32 @p2 $0x1082  }
0x22: {  	[simem:s7], [sflag:s8] =	dma.local @!p0 [hbm:s6], $0xF7A  }
0x23: {  	s9 =	sor.u32 $0xD0000000, s2;
	s6 =	simm.s32 $0x108;
	_ =	swait.ge @!p0 [sflag:s8], $0x0  }
0x24: {  	s3 =	sadd.s32 $0x88, s3;
	s6 =	simm.s32 @!p1 $0x1082;
	[sflag:s4] =	ssyncset.s32 $0xFFFFF086  }
0x25: {  	[simem:s6], [sflag:s4] =	dma.local [hbm:s3], $0xF7A  }
0x26: {  	[smem:$0x3F99] =	sst s1;
	(tag) =	ssettag s2;
	_ =	strace s9  }
0x27: {  	s1 =	sld [smem:$0x3FA9]  }
0x28: {  	s2 =	sld [smem:$0x3FAA]  }
0x29: {  	s4 =	sld [smem:$0x3FAC]  }
0x2a: {  	p0 =	seq.s32 s5, $0x0;
	s5 =	sld [smem:$0x3FAD]  }
0x2b: {  	s6 =	sld [smem:$0x3FAE]  }
0x2c: {  	s7 =	sld [smem:$0x3FAF]  }
0x2d: {  	s3 =	simm.s32 $0x108;
	s8 =	sld [smem:$0x3FB0]  }
0x2e: {  	s3 =	simm.s32 @!p0 $0x1082;
	s9 =	sld [smem:$0x3FB1]  }
0x2f: {  	lr =	sadd.s32 s0, s3;
	s0 =	sld [smem:$0x3FA8]  }
0x30: {  	s3 =	sld [smem:$0x3FAB]  }
0x31: {  	[smem:$0x3FB4] =	sst s10  }
0x32: {  	s10 =	sld [smem:$0x3FB2];
	_ =	sdelay $0x3  }
0x33: {  	p0 =	seq.s32 s10, $0x1;
	s10 =	sld [smem:$0x3FB4];
	_ =	sdelay $0x3  }
0x34: {  	[smem:$0x3FB4] =	sst s10  }
0x35: {  	s10 =	sld [smem:$0x3FB3];
	_ =	sdelay $0x3  }
0x36: {  	p1 =	seq.s32 s10, $0x1;
	s10 =	sld [smem:$0x3FB4];
	_ =	sdelay $0x3  }
0x37: {  	[smem:$0x3FB4] =	sst s10  }
0x38: {  	s10 =	sld [smem:$0x3FB5]  }
0x39: {  	_ = 	snop;
	(pc) =	sbr.ind lr, $3  }
0x3a: {  	_ = 	snop  }
0x3b: {  	_ = 	snop  }
0x3c: {  	p2 =	seq.s32 s10, $0x1;
	s10 =	sld [smem:$0x3FB4]  }
0x3d: {  	_ =	shalt  }
0x3e: {  	_ =	shalt  }
0x3f: {  	_ =	shalt  }
0x40: {  	_ =	shalt  }
0x41: {  	_ =	shalt  }
0x42: {  	_ =	shalt  }
0x43: {  	_ =	shalt  }
0x44: {  	_ =	shalt  }
0x45: {  	_ =	shalt  }
0x46: {  	_ =	shalt  }
0x47: {  	_ =	shalt  }
0x48: {  	_ =	shalt  }
0x49: {  	_ =	shalt  }
0x4a: {  	_ =	shalt  }
0x4b: {  	_ =	shalt  }
0x4c: {  	_ =	shalt  }
0x4d: {  	_ =	shalt  }
0x4e: {  	_ =	shalt  }
0x4f: {  	_ =	shalt  }
0x50: {  	_ =	shalt  }
0x51: {  	_ =	shalt  }
0x52: {  	_ =	shalt  }
0x53: {  	_ =	shalt  }
0x54: {  	_ =	shalt  }
0x55: {  	_ =	shalt  }
0x56: {  	_ =	shalt  }
0x57: {  	_ =	shalt  }
0x58: {  	_ =	shalt  }
0x59: {  	_ =	shalt  }
0x5a: {  	_ =	shalt  }
0x5b: {  	_ =	shalt  }
0x5c: {  	_ =	shalt  }
0x5d: {  	_ =	shalt  }
0x5e: {  	_ =	shalt  }
0x5f: {  	_ =	shalt  }
0x60: {  	_ =	shalt  }
0x61: {  	_ =	shalt  }
0x62: {  	_ =	shalt  }
0x63: {  	_ =	shalt  }
0x64: {  	_ =	shalt  }
0x65: {  	_ =	shalt  }
0x66: {  	_ =	shalt  }
0x67: {  	_ =	shalt  }
0x68: {  	_ =	shalt  }
0x69: {  	_ =	shalt  }
0x6a: {  	_ =	shalt  }
0x6b: {  	_ =	shalt  }
0x6c: {  	_ =	shalt  }
0x6d: {  	_ =	shalt  }
0x6e: {  	_ =	shalt  }
0x6f: {  	_ =	shalt  }
0x70: {  	_ =	shalt  }
0x71: {  	_ =	shalt  }
0x72: {  	_ =	shalt  }
0x73: {  	_ =	shalt  }
0x74: {  	_ =	shalt  }
0x75: {  	_ =	shalt  }
0x76: {  	_ =	shalt  }
0x77: {  	_ =	shalt  }
0x78: {  	_ =	shalt  }
0x79: {  	_ =	shalt  }
0x7a: {  	_ =	shalt  }
0x7b: {  	_ =	shalt  }
0x7c: {  	_ =	shalt  }
0x7d: {  	_ =	shalt  }
0x7e: {  	_ =	shalt  }
0x7f: {  	_ =	shalt  }
0x80: {  	_ =	shalt  }
0x81: {  	_ =	shalt  }
0x82: {  	_ =	shalt  }
0x83: {  	_ =	shalt  }
0x84: {  	_ =	shalt  }
0x85: {  	_ =	shalt  }
0x86: {  	_ =	shalt  }
0x87: {  	_ =	shalt  }
.Lfunc_end0:
.L_simem_size_0:
called_computation.2_lowered:
.L_overlay_start_0:
0x88: {  	s2 =	sld [smem:$0x3FD9]  }
0x89: {  	s3 =	sld [smem:$0x3FFE];
	_ =	sdelay $0x1  }
0x8a: {  	s1 =	srdreg.scid  }
0x8b: {  	s0 =	sand.u32 $0x1, s1  }
0x8c: {  	s16 =	sshll.u32 s0, $0xA;
	s2 =	sadd.s32 s3, s2  }
0x8d: {  	s2 =	sadd.s32 s2, s16  }
0x8e: {  	[smem:$0x3FC0] =	sst s2  }
0x8f: {  	_ = 	snop  }
0x90: {  	(tm) =	ssettm $0x1  }
0x91: {  	s17 =	sld [smem:$0x3FFB];
	_ =	sdelay $0x3  }
0x92: {  	_ =	strace s17  }
0x93: {  	s2 =	sld [smem:$0x3FFC];
	_ =	sdelay $0x3  }
0x94: {  	_ =	strace s2  }
0x95: {  	s2 =	sld [smem:$0x3FFD];
	_ =	sdelay $0x3  }
0x96: {  	_ =	strace s2  }
0x97: {  	_ =	strace $0x8FFFFFFF  }
0x98: {  	s18 =	sld [smem:$0x3FDB];
	_ =	sdelay $0x1  }
0x99: {  	s19 =	simm.s32 $_scs_section_size  }
0x9a: {  	s4 =	simm.s32 $_size__tile_overlayer_lowered;
	s5 =	simm.s32 $_tile_overlayer_lowered  }
0x9b: {  	s22 =	simm.s32 $0x1BFF;
	s21 =	sshll.u32 s5, $0x1;
	s2 =	sadd.s32 s19, s18  }
0x9c: {  	s6 =	simm.s32 $0x0;
	s20 =	sshll.u32 s4, $0x1;
	s4 =	sadd.s32 s21, s2  }
0x9d: {  	[timem:s6], [sflag:s22] =	dma.local [hbm:s4], s20  }
0x9e: {  	_ =	swait.ge [sflag:s22], s20  }
0x9f: {  	s3 =	ssub.s32 $0x0, s20;
	[sflag:s22] =	ssyncset.done $0x0  }
0xa0: {  	[sflag:s22] =	ssyncadd.s32 s3;
	_ =	sdelay $0x1  }
0xa1: {  	s23 =	simm.s32 $0x1B8B  }
0xa2: {  	_ =	swait.ge [sflag:s23], $0x1  }
0xa3: {  	[sflag:s23] =	ssyncset.done $0x0  }
0xa4: {  	s25 =	simm.s32 $0x1B8E;
	s24 =	sld [smem:$0x3FFE];
	[sflag:s23] =	ssyncadd.s32 $0xFFFFFFFF  }
0xa5: {  	s26 =	simm.s32 $execute0_lowered;
	[smem:$0x3FD2] =	sst s25  }
0xa6: {  	s4 =	sshll.u32 s26, $0x1;
	_ =	strace $0x8000004C;
	[dreg:$0x1] =	wrdreg $0xFFFFFFFF  }
0xa7: {  	s28 =	simm.s32 $_size_execute0_lowered;
	s2 =	sadd.s32 s2, s4;
	[dreg:$0x0] =	wrdreg $0x0  }
0xa8: {  	s4 =	sshll.u32 s28, $0x1;
	[dreg:$0x2] =	wrdreg s2  }
0xa9: {  	[dreg:$0x3] =	wrdreg s4  }
0xaa: {  	[dreg:$0x4] =	wrdreg $0xC0  }
0xab: {  	_ =	task [dreg:s6], $0x5FFFF  }
0xac: {  	[dreg:$0x1] =	wrdreg $0xFFFFFFFF  }
0xad: {  	[dreg:$0x0] =	wrdreg $0x60  }
0xae: {  	[dreg:$0x2] =	wrdreg s24  }
0xaf: {  	[dreg:$0x3] =	wrdreg $0x5F000  }
0xb0: {  	[dreg:$0x4] =	wrdreg $0x87000  }
0xb1: {  	[dreg:$0x5] =	wrdreg $0x9  }
0xb2: {  	_ =	task.clear_ibuf [dreg:s6], $0x6FFFF;
	_ =	strace $0x9000004C  }
0xb3: {  	s29 =	simm.s32 $0x9;
	_ =	strace $0x8000004E  }
0xb4: {  	_ =	swait.ge [sflag:s29], $0x1  }
0xb5: {  	[sflag:s29] =	ssyncadd.s32 $0xFFFFFFFF  }
0xb6: {  	_ =	strace $0x9000004E  }
0xb7: {  	_ =	sfence  }
0xb8: {  	s30 =	sld [smem:$0x0];
	_ =	sdelay $0x2  }
0xb9: {  	s31 =	sshll.u32 s1, $0xD;
	s1 =	sshrl.u32 s1, $0x2  }
0xba: {  	s3 =	sand.u32 $0x4000, s31;
	s1 =	sadd.s32 s1, s30  }
0xbb: {  	s0 =	sor.u32 s3, s0;
	s1 =	sshll.u32 s1, $0x11  }
0xbc: {  	s0 =	sor.u32 s1, s0  }
0xbd: {  	s0 =	sadd.s32 $0x8F2B, s0  }
0xbe: {  	[sflag:s0] =	ssyncadd.remote.s32 $0x1  }
0xbf: {  	_ =	sfence.sel $0xFFFF  }
0xc0: {  	[dreg:$0x0] =	wrdreg $0xFFFFFFFF;
	(pc) =	sbr.abs _section_cstart, $3  }
0xc1: {  	[dreg:$0x1] =	wrdreg $0xFFFFFFFF  }
0xc2: {  	_ =	task.clear_ibuf [dreg:s6], $0x2FFFF;
	_ =	strace $0x9FFFFFFF  }
0xc3: {  	(tm) =	ssettm $0x7FFFFFFF  }
tec
execute0_lowered:
.L_overlay_start_1:
0x0: {  	(tag) =	ssettag $0x1  }
0x1: {  	s6 =	rddreg [dreg:$0x0];
	s0 =	stileid.u32  }
0x2: {  	s1 =	srdreg.scid;
	s2 =	rddreg [dreg:$0x1]  }
0x3: {  	s3 =	rddreg [dreg:$0x2];
	s4 =	simm.s32 $0x0;
	s16 =	simm.s32 $0x5700  }
0x4: {  	s17 =	simm.s32 $0x1;
	s20 =	simm.s32 $0x2780;
	s21 =	simm.s32 $0x80  }
0x5: {  	s22 =	simm.s32 $0x4F00;
	s24 =	simm.s32 $0x0;
	s7 =	sand.u32 $0x1, s1  }
0x6: {  	s29 =	sshll.u32 s0, $0x1;
	s11 =	smul.u32 $0x2800, s0;
	s1 =	rddreg [dreg:$0x3]  }
0x7: {  	[smem:$0x7FF] =	sst s4;
	s13 =	smul.u32 $0xA000, s0;
	s18 =	sshll.u32 s0, $0x6  }
0x8: {  	s5 =	sor.u32 s7, s29;
	s8 =	smul.u32 $0x28000, s7;
	_ =	strace $0x8000004D  }
0x9: {  	s7 =	ssub.s32 $0x2, s7;
	s18 =	sor.u32 $0x1C01, s18;
	s5 =	smul.u32 $0x4F0, s5  }
0xa: {  	s9 =	sshrl.u32 s11, $0x3;
	s30 =	sshrl.u32 s7, $0x1;
	s19 =	sadd.s32 s11, s2  }
0xb: {  	s31 =	sshrl.u32 s13, $0x2;
	s23 =	sadd.s32 s11, s3;
	s9 =	sadd.s32 s9, s6  }
0xc: {  	s8 =	sadd.s32 s11, s8;
	s14 =	ssub.s32 s7, s30;
	s19 =	sshrl.u32 s19, $0x3  }
0xd: {  	s23 =	sshrl.u32 s23, $0x3;
	s10 =	sadd.s32 s5, s6;
	s8 =	sshrl.u32 s8, $0x3  }
0xe: {  	s5 =	sadd.s32 $0x15A00, s6;
	s11 =	smax.u32 s14, $0x1;
	s12 =	sadd.s32 s8, s6  }
0xf: {  	s6 =	sadd.s32 $0x15C00, s9;
	s7 =	sadd.s32 $0xBC00, s10;
	s9 =	sadd.s32 s31, s3  }
0x10: {  	s8 =	sadd.s32 $0x1E00, s10;
	s10 =	sadd.s32 $0x1AC00, s12;
	s12 =	sadd.s32 $0x800, s9  }
0x11: {  	s13 =	sadd.s32 $0x1000, s9;
	s14 =	sadd.s32 $0x1800, s9;
	s15 =	sadd.s32 $0x2000, s9  }
.LBB2_1:
0x12: {  	[tilespmem:s16], [sflag:$0x1] =	stream.linear.gather [hbm4b:s5+s4], $0x800, $0x38;
	[tilespmem:$0xAF00] =	vst v63  }
0x13: {  	_ =	swait.ge [sflag:s17], $0x800  }
0x14: {  	[sflag:s17] =	ssyncset.done $0x0  }
0x15: {  	[sflag:s17] =	ssyncadd.s32 $0xFFFFF800  }
0x16: {  	[spmem:s19], [sflag:s18] =	dma.local [hbm:s6], $0x500  }
0x17: {  	_ =	swait.ge [sflag:s17], $0x500  }
0x18: {  	[sflag:s17] =	ssyncset.done $0x0  }
0x19: {  	[sflag:s17] =	ssyncadd.s32 $0xFFFFFB00  }
0x1a: {  	[tilespmem:s4], [sflag:$0x1] =	stream.linear.gather [hbm4b:s7+s4], $0x2780, $0x38;
	[tilespmem:$0xAF00] =	vst v63  }
0x1b: {  	_ =	swait.ge [sflag:s17], $0x2780  }
0x1c: {  	[sflag:s17] =	ssyncset.done $0x0  }
0x1d: {  	[sflag:s17] =	ssyncadd.s32 $0xFFFFD880  }
0x1e: {  	[tilespmem:s20], [sflag:$0x1] =	stream.linear.gather [hbm4b:s8+s4], $0x2780, $0x38;
	[tilespmem:$0xAF00] =	vst v63  }
0x1f: {  	_ =	swait.ge [sflag:s17], $0x2780  }
0x20: {  	[sflag:s17] =	ssyncset.done $0x0  }
0x21: {  	[sflag:s17] =	ssyncadd.s32 $0xFFFFD880  }
0x22: {  	[spmem:s9] =	stream.linear.scatter [tilespmem:s16], [sflag:$0x1], $0x800, $0x38;
	[tilespmem:$0xAF00] =	vst v63  }
0x23: {  	_ =	swait.ge [sflag:s17], $0x800  }
0x24: {  	[sflag:s17] =	ssyncset.done $0x0  }
0x25: {  	[sflag:s17] =	ssyncadd.s32 $0xFFFFF800  }
0x26: {  	[spmem:s12] =	stream.linear.scatter [tilespmem:s16], [sflag:$0x1], $0x800, $0x38;
	[tilespmem:$0xAF00] =	vst v63  }
0x27: {  	_ =	swait.ge [sflag:s17], $0x800  }
0x28: {  	[sflag:s17] =	ssyncset.done $0x0  }
0x29: {  	[sflag:s17] =	ssyncadd.s32 $0xFFFFF800  }
0x2a: {  	[spmem:s13] =	stream.linear.scatter [tilespmem:s16], [sflag:$0x1], $0x800, $0x38;
	[tilespmem:$0xAF00] =	vst v63  }
0x2b: {  	_ =	swait.ge [sflag:s17], $0x800  }
0x2c: {  	[sflag:s17] =	ssyncset.done $0x0  }
0x2d: {  	[sflag:s17] =	ssyncadd.s32 $0xFFFFF800  }
0x2e: {  	[spmem:s14] =	stream.linear.scatter [tilespmem:s16], [sflag:$0x1], $0x800, $0x38;
	[tilespmem:$0xAF00] =	vst v63  }
0x2f: {  	_ =	swait.ge [sflag:s17], $0x800  }
0x30: {  	[sflag:s17] =	ssyncset.done $0x0  }
0x31: {  	[sflag:s17] =	ssyncadd.s32 $0xFFFFF800  }
0x32: {  	[spmem:s15] =	stream.linear.scatter [tilespmem:s16], [sflag:$0x1], $0x800, $0x38;
	[tilespmem:$0xAF00] =	vst v63  }
0x33: {  	_ =	swait.ge [sflag:s17], $0x800  }
0x34: {  	[sflag:s17] =	ssyncset.done $0x0  }
0x35: {  	[sflag:s17] =	ssyncadd.s32 $0xFFFFF800  }
0x36: {  	s25 =	simm.s32 $0x0;
	[bflag:$0x0] =	sbarrier.arrive $0xFFFF  }
0x37: {  	[tilespmem:s22], [sflag:$0x1] =	stream.indirect.gather [spmem:s2], $0x10, s25, s21, $0xb8;
	[tilespmem:$0xAF00] =	vst v63  }
0x38: {  	_ =	swait.ge [sflag:s17], $0x800  }
0x39: {  	[sflag:s17] =	ssyncset.done $0x0  }
0x3a: {  	s31 =	simm.s32 $0x2780;
	[sflag:s17] =	ssyncadd.s32 $0xFFFFF800  }
0x3b: {  	[spmem:s3] =	stream.indirect.scatter.add.f32 [tilespmem:s22], [sflag:$0x1], $0x10, s31, s21, $0xb8;
	[tilespmem:$0xAF00] =	vst v63  }
0x3c: {  	_ =	swait.ge [sflag:s17], $0x800  }
0x3d: {  	s26 =	simm.s32 $0x400;
	s25 =	simm.s32 $0x200;
	[sflag:s17] =	ssyncset.done $0x0  }
.LBB2_2:
0x3e: {  	s28 =	sshra.s32 s25, $0x2  }
0x3f: {  	[sflag:s17] =	ssyncadd.s32 $0xFFFFF800;
	s25 =	smov.u32 s26;
	s29 =	sadd.s32 $0x200, s26  }
0x40: {  	[tilespmem:s22], [sflag:$0x1] =	stream.indirect.gather [spmem:s2], $0x10, s28, s21, $0xb8;
	[tilespmem:$0xAF00] =	vst v63  }
0x41: {  	p0 =	sne.s32 s26, $0x9C00;
	_ =	swait.ge [sflag:s17], $0x800  }
.Ltmp0:
0x42: {  	[sflag:s17] =	ssyncset.done $0x0;
	(pc) =	sbr.rel @p0 .LBB2_2-.Ltmp0, $4  }
0x43: {  	s26 =	sadd.s32 $0x2780, s28;
	[sflag:s17] =	ssyncadd.s32 $0xFFFFF800  }
0x44: {  	[spmem:s3] =	stream.indirect.scatter.add.f32 [tilespmem:s22], [sflag:$0x1], $0x10, s26, s21, $0xb8;
	[tilespmem:$0xAF00] =	vst v63  }
0x45: {  	_ =	swait.ge [sflag:s17], $0x800  }
0x46: {  	s26 =	smov.u32 s29;
	[sflag:s17] =	ssyncset.done $0x0  }
0x47: {  	s25 =	sshra.s32 s25, $0x2;
	[sflag:s17] =	ssyncadd.s32 $0xFFFFF800  }
0x48: {  	[tilespmem:s22], [sflag:$0x1] =	stream.indirect.gather [spmem:s2], $0x10, s25, s21, $0xb8;
	[tilespmem:$0xAF00] =	vst v63  }
0x49: {  	_ =	swait.ge [sflag:s17], $0x800  }
0x4a: {  	[sflag:s17] =	ssyncset.done $0x0  }
0x4b: {  	s25 =	sadd.s32 $0x2780, s25;
	[sflag:s17] =	ssyncadd.s32 $0xFFFFF800  }
0x4c: {  	[spmem:s3] =	stream.indirect.scatter.add.f32 [tilespmem:s22], [sflag:$0x1], $0x10, s25, s21, $0xb8;
	[tilespmem:$0xAF00] =	vst v63  }
0x4d: {  	_ =	swait.ge [sflag:s17], $0x800  }
0x4e: {  	s24 =	sadd.s32 $0x1, s24;
	[sflag:s17] =	ssyncset.done $0x0  }
0x4f: {  	p0 =	sne.s32 s24, s11;
	[sflag:s17] =	ssyncadd.s32 $0xFFFFF800  }
.Ltmp1:
0x50: {  	[bflag:$0x0] =	sbarrier.arrive $0xFFFF;
	(pc) =	sbr.rel @p0 .LBB2_1-.Ltmp1, $4  }
0x51: {  	[hbm:s10], [sflag:s18] =	dma.local [spmem:s23], $0x500  }
0x52: {  	_ =	swait.ge [sflag:s17], $0x500  }
0x53: {  	[sflag:s17] =	ssyncset.done $0x0  }
0x54: {  	[sflag:s17] =	ssyncadd.s32 $0xFFFFFB00  }
0x55: {  	_ =	sfence.sel $0x180000  }
0x56: {  	[bflag:$0x0] =	sbarrier.arrive $0xFFFF  }
0x57: {  	p0 =	sne.s32 s0, $0x0;
	_ =	strace $0x9000004D  }
0x58: {  	s0 =	sadd.s32 @!p0 $0x100000, s1;
	[bflag:$0x2] =	sbarrier.arrive $0xFFFF  }
0x59: {  	[sflag:s0] =	ssyncadd.tile.s32 @!p0 $0x1;
	_ =	shalt  }
.Lfunc_end2:
_tile_overlayer_lowered:
.L_overlay_start_2:
0x5a: {  	(tag) =	ssettag $0x2  }
0x5b: {  	s0 =	rddreg [dreg:$0x0];
	s2 =	stileid.u32  }
0x5c: {  	s1 =	rddreg [dreg:$0x1];
	p0 =	sne.s32 s2, $0x0  }
0x5d: {  	s3 =	rddreg [dreg:$0x2];
	[bflag:$0x3] =	sbarrier.arrive $0xFFFF;
	s2 =	simm.s32 @!p0 $0x1C01  }
0x5e: {  	[timem:s3], [sflag:s2] =	dma.local @!p0 [hbm:s0], s1  }
0x5f: {  	s0 =	simm.s32 @!p0 $0x1  }
0x60: {  	_ =	swait.ge @!p0 [sflag:s0], s1  }
0x61: {  	s1 =	ssub.s32 @!p0 $0x0, s1;
	[sflag:s0] =	ssyncset.done @!p0 $0x0  }
0x62: {  	[sflag:s0] =	ssyncadd.s32 @!p0 s1  }
0x63: {  	[bflag:$0x3] =	sbarrier.arrive $0xFFFF  }
0x64: {  	_ =	shalt  }

// kernel: kernel.20.cloned.1.call-start
scs
__scs_entry_jumppad:
0x0: {  	(pc) =	sbr.rel $0x88, $3  }
0x1: {  	(tag) =	ssettag $0x0;
	lr =	simm.s32 $0x1  }
0x2: {  	[smem:$0x3F99] =	sst lr;
	_ =	strace $0xD0000000  }
0x3: {  	_ = 	snop  }
0x4: {  	_ = 	snop  }
0x5: {  	_ = 	snop  }
0x6: {  	_ = 	snop  }
0x7: {  	_ = 	snop  }
__scs_overlays_trampoline_lowered:
0x8: {  	[smem:$0x3FA8] =	sst s0  }
0x9: {  	[smem:$0x3FA9] =	sst s1  }
0xa: {  	[smem:$0x3FAA] =	sst s2  }
0xb: {  	[smem:$0x3FAB] =	sst s3  }
0xc: {  	[smem:$0x3FAC] =	sst s4  }
0xd: {  	[smem:$0x3FAD] =	sst s5  }
0xe: {  	[smem:$0x3FAE] =	sst s6  }
0xf: {  	[smem:$0x3FAF] =	sst s7  }
0x10: {  	[smem:$0x3FB0] =	sst s8  }
0x11: {  	[smem:$0x3FB1] =	sst s9;
	s0 =	simm.s32 @!p0 $0x0  }
0x12: {  	s1 =	sld [smem:$0x3F97];
	s0 =	simm.s32 @p0 $0x1  }
0x13: {  	[smem:$0x3FB2] =	sst s0;
	s0 =	simm.s32 @!p1 $0x0  }
0x14: {  	s2 =	sld [smem:$0x3F96];
	s0 =	simm.s32 @p1 $0x1  }
0x15: {  	[smem:$0x3FB3] =	sst s0;
	s0 =	simm.s32 @!p2 $0x0  }
0x16: {  	s3 =	sld [smem:$0x3FDB];
	s0 =	simm.s32 @p2 $0x1  }
0x17: {  	s4 =	simm.s32 $0x1BF5;
	[smem:$0x3FB5] =	sst s0  }
0x18: {  	s0 =	sld [smem:$0x3F98];
	_ =	swait.ge [sflag:s4], $0x0  }
0x19: {  	s7 =	sld [smem:$0x3F99]  }
0x1a: {  	s8 =	sadd.s32 $0xFFFFE003, lr  }
0x1b: {  	s9 =	sadd.s32 $0xFFFFFEF7, lr;
	s5 =	simm.s32 $0xFFFFFFFF;
	p2 =	slt.u32 s8, $0xFFFFF086  }
0x1c: {  	p1 =	slt.u32 s9, $0xF7A;
	s5 =	simm.s32 @!p2 $0x0  }
0x1d: {  	s5 =	simm.s32 @p1 $0x1;
	p0 =	seq.s32 s7, s2  }
0x1e: {  	s7 =	smul.u32 @!p0 $0xF7A, s2;
	p2 =	seq.s32 @!p0 s5, $0x0  }
0x1f: {  	s9 =	smul.u32 $0xF7A, s1;
	s8 =	simm.s32 @!p0 $0x1BF5;
	p2 =	por !p2, p0  }
0x20: {  	[sflag:s8] =	ssyncset.s32 @!p0 $0xFFFFF086;
	s6 =	sadd.s32 @!p0 s3, s7;
	s7 =	simm.s32 @!p0 $0x108  }
0x21: {  	s3 =	sadd.s32 s3, s9;
	s6 =	sadd.s32 @!p0 $0x88, s6;
	s7 =	simm.s32 @p2 $0x1082  }
0x22: {  	[simem:s7], [sflag:s8] =	dma.local @!p0 [hbm:s6], $0xF7A  }
0x23: {  	s9 =	sor.u32 $0xD0000000, s2;
	s6 =	simm.s32 $0x108;
	_ =	swait.ge @!p0 [sflag:s8], $0x0  }
0x24: {  	s3 =	sadd.s32 $0x88, s3;
	s6 =	simm.s32 @!p1 $0x1082;
	[sflag:s4] =	ssyncset.s32 $0xFFFFF086  }
0x25: {  	[simem:s6], [sflag:s4] =	dma.local [hbm:s3], $0xF7A  }
0x26: {  	[smem:$0x3F99] =	sst s1;
	(tag) =	ssettag s2;
	_ =	strace s9  }
0x27: {  	s1 =	sld [smem:$0x3FA9]  }
0x28: {  	s2 =	sld [smem:$0x3FAA]  }
0x29: {  	s4 =	sld [smem:$0x3FAC]  }
0x2a: {  	p0 =	seq.s32 s5, $0x0;
	s5 =	sld [smem:$0x3FAD]  }
0x2b: {  	s6 =	sld [smem:$0x3FAE]  }
0x2c: {  	s7 =	sld [smem:$0x3FAF]  }
0x2d: {  	s3 =	simm.s32 $0x108;
	s8 =	sld [smem:$0x3FB0]  }
0x2e: {  	s3 =	simm.s32 @!p0 $0x1082;
	s9 =	sld [smem:$0x3FB1]  }
0x2f: {  	lr =	sadd.s32 s0, s3;
	s0 =	sld [smem:$0x3FA8]  }
0x30: {  	s3 =	sld [smem:$0x3FAB]  }
0x31: {  	[smem:$0x3FB4] =	sst s10  }
0x32: {  	s10 =	sld [smem:$0x3FB2];
	_ =	sdelay $0x3  }
0x33: {  	p0 =	seq.s32 s10, $0x1;
	s10 =	sld [smem:$0x3FB4];
	_ =	sdelay $0x3  }
0x34: {  	[smem:$0x3FB4] =	sst s10  }
0x35: {  	s10 =	sld [smem:$0x3FB3];
	_ =	sdelay $0x3  }
0x36: {  	p1 =	seq.s32 s10, $0x1;
	s10 =	sld [smem:$0x3FB4];
	_ =	sdelay $0x3  }
0x37: {  	[smem:$0x3FB4] =	sst s10  }
0x38: {  	s10 =	sld [smem:$0x3FB5]  }
0x39: {  	_ = 	snop;
	(pc) =	sbr.ind lr, $3  }
0x3a: {  	_ = 	snop  }
0x3b: {  	_ = 	snop  }
0x3c: {  	p2 =	seq.s32 s10, $0x1;
	s10 =	sld [smem:$0x3FB4]  }
0x3d: {  	_ =	shalt  }
0x3e: {  	_ =	shalt  }
0x3f: {  	_ =	shalt  }
0x40: {  	_ =	shalt  }
0x41: {  	_ =	shalt  }
0x42: {  	_ =	shalt  }
0x43: {  	_ =	shalt  }
0x44: {  	_ =	shalt  }
0x45: {  	_ =	shalt  }
0x46: {  	_ =	shalt  }
0x47: {  	_ =	shalt  }
0x48: {  	_ =	shalt  }
0x49: {  	_ =	shalt  }
0x4a: {  	_ =	shalt  }
0x4b: {  	_ =	shalt  }
0x4c: {  	_ =	shalt  }
0x4d: {  	_ =	shalt  }
0x4e: {  	_ =	shalt  }
0x4f: {  	_ =	shalt  }
0x50: {  	_ =	shalt  }
0x51: {  	_ =	shalt  }
0x52: {  	_ =	shalt  }
0x53: {  	_ =	shalt  }
0x54: {  	_ =	shalt  }
0x55: {  	_ =	shalt  }
0x56: {  	_ =	shalt  }
0x57: {  	_ =	shalt  }
0x58: {  	_ =	shalt  }
0x59: {  	_ =	shalt  }
0x5a: {  	_ =	shalt  }
0x5b: {  	_ =	shalt  }
0x5c: {  	_ =	shalt  }
0x5d: {  	_ =	shalt  }
0x5e: {  	_ =	shalt  }
0x5f: {  	_ =	shalt  }
0x60: {  	_ =	shalt  }
0x61: {  	_ =	shalt  }
0x62: {  	_ =	shalt  }
0x63: {  	_ =	shalt  }
0x64: {  	_ =	shalt  }
0x65: {  	_ =	shalt  }
0x66: {  	_ =	shalt  }
0x67: {  	_ =	shalt  }
0x68: {  	_ =	shalt  }
0x69: {  	_ =	shalt  }
0x6a: {  	_ =	shalt  }
0x6b: {  	_ =	shalt  }
0x6c: {  	_ =	shalt  }
0x6d: {  	_ =	shalt  }
0x6e: {  	_ =	shalt  }
0x6f: {  	_ =	shalt  }
0x70: {  	_ =	shalt  }
0x71: {  	_ =	shalt  }
0x72: {  	_ =	shalt  }
0x73: {  	_ =	shalt  }
0x74: {  	_ =	shalt  }
0x75: {  	_ =	shalt  }
0x76: {  	_ =	shalt  }
0x77: {  	_ =	shalt  }
0x78: {  	_ =	shalt  }
0x79: {  	_ =	shalt  }
0x7a: {  	_ =	shalt  }
0x7b: {  	_ =	shalt  }
0x7c: {  	_ =	shalt  }
0x7d: {  	_ =	shalt  }
0x7e: {  	_ =	shalt  }
0x7f: {  	_ =	shalt  }
0x80: {  	_ =	shalt  }
0x81: {  	_ =	shalt  }
0x82: {  	_ =	shalt  }
0x83: {  	_ =	shalt  }
0x84: {  	_ =	shalt  }
0x85: {  	_ =	shalt  }
0x86: {  	_ =	shalt  }
0x87: {  	_ =	shalt  }
.Lfunc_end0:
.L_simem_size_0:
called_computation.3_lowered:
.L_overlay_start_0:
0x88: {  	s2 =	sld [smem:$0x3FD9]  }
0x89: {  	s3 =	sld [smem:$0x3FFE];
	_ =	sdelay $0x1  }
0x8a: {  	s1 =	srdreg.scid  }
0x8b: {  	s0 =	sand.u32 $0x1, s1  }
0x8c: {  	s16 =	sshll.u32 s0, $0xA;
	s2 =	sadd.s32 s3, s2  }
0x8d: {  	s2 =	sadd.s32 s2, s16  }
0x8e: {  	[smem:$0x3FC0] =	sst s2  }
0x8f: {  	_ = 	snop  }
0x90: {  	(tm) =	ssettm $0x1  }
0x91: {  	s17 =	sld [smem:$0x3FFB];
	_ =	sdelay $0x3  }
0x92: {  	_ =	strace s17  }
0x93: {  	s2 =	sld [smem:$0x3FFC];
	_ =	sdelay $0x3  }
0x94: {  	_ =	strace s2  }
0x95: {  	s2 =	sld [smem:$0x3FFD];
	_ =	sdelay $0x3  }
0x96: {  	_ =	strace s2  }
0x97: {  	_ =	strace $0x8FFFFFFF  }
0x98: {  	s18 =	sld [smem:$0x3FDB];
	_ =	sdelay $0x1  }
0x99: {  	s19 =	simm.s32 $_scs_section_size  }
0x9a: {  	s4 =	simm.s32 $_size__tile_overlayer_lowered;
	s5 =	simm.s32 $_tile_overlayer_lowered  }
0x9b: {  	s22 =	simm.s32 $0x1BFF;
	s21 =	sshll.u32 s5, $0x1;
	s2 =	sadd.s32 s19, s18  }
0x9c: {  	s6 =	simm.s32 $0x0;
	s20 =	sshll.u32 s4, $0x1;
	s4 =	sadd.s32 s21, s2  }
0x9d: {  	[timem:s6], [sflag:s22] =	dma.local [hbm:s4], s20  }
0x9e: {  	_ =	swait.ge [sflag:s22], s20  }
0x9f: {  	s3 =	ssub.s32 $0x0, s20;
	[sflag:s22] =	ssyncset.done $0x0  }
0xa0: {  	[sflag:s22] =	ssyncadd.s32 s3;
	_ =	sdelay $0x1  }
0xa1: {  	s23 =	simm.s32 $0x1B8B  }
0xa2: {  	_ =	swait.ge [sflag:s23], $0x1  }
0xa3: {  	[sflag:s23] =	ssyncset.done $0x0  }
0xa4: {  	s25 =	simm.s32 $0x1B8E;
	s24 =	sld [smem:$0x3FFE];
	[sflag:s23] =	ssyncadd.s32 $0xFFFFFFFF  }
0xa5: {  	s26 =	simm.s32 $execute0_lowered;
	[smem:$0x3FD2] =	sst s25  }
0xa6: {  	s4 =	sshll.u32 s26, $0x1;
	_ =	strace $0x8000004F;
	[dreg:$0x1] =	wrdreg $0xFFFFFFFF  }
0xa7: {  	s28 =	simm.s32 $_size_execute0_lowered;
	s2 =	sadd.s32 s2, s4;
	[dreg:$0x0] =	wrdreg $0x0  }
0xa8: {  	s4 =	sshll.u32 s28, $0x1;
	[dreg:$0x2] =	wrdreg s2  }
0xa9: {  	[dreg:$0x3] =	wrdreg s4  }
0xaa: {  	[dreg:$0x4] =	wrdreg $0xC0  }
0xab: {  	_ =	task [dreg:s6], $0x5FFFF  }
0xac: {  	[dreg:$0x1] =	wrdreg $0xFFFFFFFF  }
0xad: {  	[dreg:$0x0] =	wrdreg $0x60  }
0xae: {  	[dreg:$0x2] =	wrdreg s24  }
0xaf: {  	[dreg:$0x3] =	wrdreg $0x5F000  }
0xb0: {  	[dreg:$0x4] =	wrdreg $0x87000  }
0xb1: {  	[dreg:$0x5] =	wrdreg $0x9  }
0xb2: {  	_ =	task.clear_ibuf [dreg:s6], $0x6FFFF;
	_ =	strace $0x9000004F  }
0xb3: {  	s29 =	simm.s32 $0x9;
	_ =	strace $0x80000051  }
0xb4: {  	_ =	swait.ge [sflag:s29], $0x1  }
0xb5: {  	[sflag:s29] =	ssyncadd.s32 $0xFFFFFFFF  }
0xb6: {  	_ =	strace $0x90000051  }
0xb7: {  	_ =	sfence  }
0xb8: {  	s30 =	sld [smem:$0x0];
	_ =	sdelay $0x2  }
0xb9: {  	s31 =	sshll.u32 s1, $0xD;
	s1 =	sshrl.u32 s1, $0x2  }
0xba: {  	s3 =	sand.u32 $0x4000, s31;
	s1 =	sadd.s32 s1, s30  }
0xbb: {  	s0 =	sor.u32 s3, s0;
	s1 =	sshll.u32 s1, $0x11  }
0xbc: {  	s0 =	sor.u32 s1, s0  }
0xbd: {  	s0 =	sadd.s32 $0x8F2B, s0  }
0xbe: {  	[sflag:s0] =	ssyncadd.remote.s32 $0x1  }
0xbf: {  	_ =	sfence.sel $0xFFFF  }
0xc0: {  	[dreg:$0x0] =	wrdreg $0xFFFFFFFF;
	(pc) =	sbr.abs _section_cstart, $3  }
0xc1: {  	[dreg:$0x1] =	wrdreg $0xFFFFFFFF  }
0xc2: {  	_ =	task.clear_ibuf [dreg:s6], $0x2FFFF;
	_ =	strace $0x9FFFFFFF  }
0xc3: {  	(tm) =	ssettm $0x7FFFFFFF  }
tec
execute0_lowered:
.L_overlay_start_1:
0x0: {  	(tag) =	ssettag $0x1  }
0x1: {  	s6 =	rddreg [dreg:$0x0];
	s0 =	stileid.u32  }
0x2: {  	s1 =	srdreg.scid;
	s2 =	rddreg [dreg:$0x1]  }
0x3: {  	s3 =	rddreg [dreg:$0x2];
	s4 =	simm.s32 $0x0;
	s16 =	simm.s32 $0x5700  }
0x4: {  	s17 =	simm.s32 $0x1;
	s20 =	simm.s32 $0x2780;
	s21 =	simm.s32 $0x80  }
0x5: {  	s22 =	simm.s32 $0x4F00;
	s24 =	simm.s32 $0x0;
	s7 =	sand.u32 $0x1, s1  }
0x6: {  	s29 =	sshll.u32 s0, $0x1;
	s11 =	smul.u32 $0x2800, s0;
	s1 =	rddreg [dreg:$0x3]  }
0x7: {  	[smem:$0x7FF] =	sst s4;
	s13 =	smul.u32 $0xA000, s0;
	s18 =	sshll.u32 s0, $0x6  }
0x8: {  	s5 =	sor.u32 s7, s29;
	s8 =	smul.u32 $0x28000, s7;
	_ =	strace $0x80000050  }
0x9: {  	s7 =	ssub.s32 $0x2, s7;
	s18 =	sor.u32 $0x1C01, s18;
	s5 =	smul.u32 $0x4F0, s5  }
0xa: {  	s9 =	sshrl.u32 s11, $0x3;
	s30 =	sshrl.u32 s7, $0x1;
	s19 =	sadd.s32 s11, s2  }
0xb: {  	s31 =	sshrl.u32 s13, $0x2;
	s23 =	sadd.s32 s11, s3;
	s9 =	sadd.s32 s9, s6  }
0xc: {  	s8 =	sadd.s32 s11, s8;
	s14 =	ssub.s32 s7, s30;
	s19 =	sshrl.u32 s19, $0x3  }
0xd: {  	s23 =	sshrl.u32 s23, $0x3;
	s10 =	sadd.s32 s5, s6;
	s8 =	sshrl.u32 s8, $0x3  }
0xe: {  	s5 =	sadd.s32 $0x15A00, s6;
	s11 =	smax.u32 s14, $0x1;
	s12 =	sadd.s32 s8, s6  }
0xf: {  	s6 =	sadd.s32 $0x15C00, s9;
	s7 =	sadd.s32 $0xBC00, s10;
	s9 =	sadd.s32 s31, s3  }
0x10: {  	s8 =	sadd.s32 $0x1E00, s10;
	s10 =	sadd.s32 $0x1AC00, s12;
	s12 =	sadd.s32 $0x800, s9  }
0x11: {  	s13 =	sadd.s32 $0x1000, s9;
	s14 =	sadd.s32 $0x1800, s9;
	s15 =	sadd.s32 $0x2000, s9  }
.LBB2_1:
0x12: {  	[tilespmem:s16], [sflag:$0x1] =	stream.linear.gather [hbm4b:s5+s4], $0x800, $0x38;
	[tilespmem:$0xAF00] =	vst v63  }
0x13: {  	_ =	swait.ge [sflag:s17], $0x800  }
0x14: {  	[sflag:s17] =	ssyncset.done $0x0  }
0x15: {  	[sflag:s17] =	ssyncadd.s32 $0xFFFFF800  }
0x16: {  	[spmem:s19], [sflag:s18] =	dma.local [hbm:s6], $0x500  }
0x17: {  	_ =	swait.ge [sflag:s17], $0x500  }
0x18: {  	[sflag:s17] =	ssyncset.done $0x0  }
0x19: {  	[sflag:s17] =	ssyncadd.s32 $0xFFFFFB00  }
0x1a: {  	[tilespmem:s4], [sflag:$0x1] =	stream.linear.gather [hbm4b:s7+s4], $0x2780, $0x38;
	[tilespmem:$0xAF00] =	vst v63  }
0x1b: {  	_ =	swait.ge [sflag:s17], $0x2780  }
0x1c: {  	[sflag:s17] =	ssyncset.done $0x0  }
0x1d: {  	[sflag:s17] =	ssyncadd.s32 $0xFFFFD880  }
0x1e: {  	[tilespmem:s20], [sflag:$0x1] =	stream.linear.gather [hbm4b:s8+s4], $0x2780, $0x38;
	[tilespmem:$0xAF00] =	vst v63  }
0x1f: {  	_ =	swait.ge [sflag:s17], $0x2780  }
0x20: {  	[sflag:s17] =	ssyncset.done $0x0  }
0x21: {  	[sflag:s17] =	ssyncadd.s32 $0xFFFFD880  }
0x22: {  	[spmem:s9] =	stream.linear.scatter [tilespmem:s16], [sflag:$0x1], $0x800, $0x38;
	[tilespmem:$0xAF00] =	vst v63  }
0x23: {  	_ =	swait.ge [sflag:s17], $0x800  }
0x24: {  	[sflag:s17] =	ssyncset.done $0x0  }
0x25: {  	[sflag:s17] =	ssyncadd.s32 $0xFFFFF800  }
0x26: {  	[spmem:s12] =	stream.linear.scatter [tilespmem:s16], [sflag:$0x1], $0x800, $0x38;
	[tilespmem:$0xAF00] =	vst v63  }
0x27: {  	_ =	swait.ge [sflag:s17], $0x800  }
0x28: {  	[sflag:s17] =	ssyncset.done $0x0  }
0x29: {  	[sflag:s17] =	ssyncadd.s32 $0xFFFFF800  }
0x2a: {  	[spmem:s13] =	stream.linear.scatter [tilespmem:s16], [sflag:$0x1], $0x800, $0x38;
	[tilespmem:$0xAF00] =	vst v63  }
0x2b: {  	_ =	swait.ge [sflag:s17], $0x800  }
0x2c: {  	[sflag:s17] =	ssyncset.done $0x0  }
0x2d: {  	[sflag:s17] =	ssyncadd.s32 $0xFFFFF800  }
0x2e: {  	[spmem:s14] =	stream.linear.scatter [tilespmem:s16], [sflag:$0x1], $0x800, $0x38;
	[tilespmem:$0xAF00] =	vst v63  }
0x2f: {  	_ =	swait.ge [sflag:s17], $0x800  }
0x30: {  	[sflag:s17] =	ssyncset.done $0x0  }
0x31: {  	[sflag:s17] =	ssyncadd.s32 $0xFFFFF800  }
0x32: {  	[spmem:s15] =	stream.linear.scatter [tilespmem:s16], [sflag:$0x1], $0x800, $0x38;
	[tilespmem:$0xAF00] =	vst v63  }
0x33: {  	_ =	swait.ge [sflag:s17], $0x800  }
0x34: {  	[sflag:s17] =	ssyncset.done $0x0  }
0x35: {  	[sflag:s17] =	ssyncadd.s32 $0xFFFFF800  }
0x36: {  	s25 =	simm.s32 $0x0;
	[bflag:$0x0] =	sbarrier.arrive $0xFFFF  }
0x37: {  	[tilespmem:s22], [sflag:$0x1] =	stream.indirect.gather [spmem:s2], $0x10, s25, s21, $0xb8;
	[tilespmem:$0xAF00] =	vst v63  }
0x38: {  	_ =	swait.ge [sflag:s17], $0x800  }
0x39: {  	[sflag:s17] =	ssyncset.done $0x0  }
0x3a: {  	s31 =	simm.s32 $0x2780;
	[sflag:s17] =	ssyncadd.s32 $0xFFFFF800  }
0x3b: {  	[spmem:s3] =	stream.indirect.scatter.add.f32 [tilespmem:s22], [sflag:$0x1], $0x10, s31, s21, $0xb8;
	[tilespmem:$0xAF00] =	vst v63  }
0x3c: {  	_ =	swait.ge [sflag:s17], $0x800  }
0x3d: {  	s26 =	simm.s32 $0x400;
	s25 =	simm.s32 $0x200;
	[sflag:s17] =	ssyncset.done $0x0  }
.LBB2_2:
0x3e: {  	s28 =	sshra.s32 s25, $0x2  }
0x3f: {  	[sflag:s17] =	ssyncadd.s32 $0xFFFFF800;
	s25 =	smov.u32 s26;
	s29 =	sadd.s32 $0x200, s26  }
0x40: {  	[tilespmem:s22], [sflag:$0x1] =	stream.indirect.gather [spmem:s2], $0x10, s28, s21, $0xb8;
	[tilespmem:$0xAF00] =	vst v63  }
0x41: {  	p0 =	sne.s32 s26, $0x9C00;
	_ =	swait.ge [sflag:s17], $0x800  }
.Ltmp0:
0x42: {  	[sflag:s17] =	ssyncset.done $0x0;
	(pc) =	sbr.rel @p0 .LBB2_2-.Ltmp0, $4  }
0x43: {  	s26 =	sadd.s32 $0x2780, s28;
	[sflag:s17] =	ssyncadd.s32 $0xFFFFF800  }
0x44: {  	[spmem:s3] =	stream.indirect.scatter.add.f32 [tilespmem:s22], [sflag:$0x1], $0x10, s26, s21, $0xb8;
	[tilespmem:$0xAF00] =	vst v63  }
0x45: {  	_ =	swait.ge [sflag:s17], $0x800  }
0x46: {  	s26 =	smov.u32 s29;
	[sflag:s17] =	ssyncset.done $0x0  }
0x47: {  	s25 =	sshra.s32 s25, $0x2;
	[sflag:s17] =	ssyncadd.s32 $0xFFFFF800  }
0x48: {  	[tilespmem:s22], [sflag:$0x1] =	stream.indirect.gather [spmem:s2], $0x10, s25, s21, $0xb8;
	[tilespmem:$0xAF00] =	vst v63  }
0x49: {  	_ =	swait.ge [sflag:s17], $0x800  }
0x4a: {  	[sflag:s17] =	ssyncset.done $0x0  }
0x4b: {  	s25 =	sadd.s32 $0x2780, s25;
	[sflag:s17] =	ssyncadd.s32 $0xFFFFF800  }
0x4c: {  	[spmem:s3] =	stream.indirect.scatter.add.f32 [tilespmem:s22], [sflag:$0x1], $0x10, s25, s21, $0xb8;
	[tilespmem:$0xAF00] =	vst v63  }
0x4d: {  	_ =	swait.ge [sflag:s17], $0x800  }
0x4e: {  	s24 =	sadd.s32 $0x1, s24;
	[sflag:s17] =	ssyncset.done $0x0  }
0x4f: {  	p0 =	sne.s32 s24, s11;
	[sflag:s17] =	ssyncadd.s32 $0xFFFFF800  }
.Ltmp1:
0x50: {  	[bflag:$0x0] =	sbarrier.arrive $0xFFFF;
	(pc) =	sbr.rel @p0 .LBB2_1-.Ltmp1, $4  }
0x51: {  	[hbm:s10], [sflag:s18] =	dma.local [spmem:s23], $0x500  }
0x52: {  	_ =	swait.ge [sflag:s17], $0x500  }
0x53: {  	[sflag:s17] =	ssyncset.done $0x0  }
0x54: {  	[sflag:s17] =	ssyncadd.s32 $0xFFFFFB00  }
0x55: {  	_ =	sfence.sel $0x180000  }
0x56: {  	[bflag:$0x0] =	sbarrier.arrive $0xFFFF  }
0x57: {  	p0 =	sne.s32 s0, $0x0;
	_ =	strace $0x90000050  }
0x58: {  	s0 =	sadd.s32 @!p0 $0x100000, s1;
	[bflag:$0x2] =	sbarrier.arrive $0xFFFF  }
0x59: {  	[sflag:s0] =	ssyncadd.tile.s32 @!p0 $0x1;
	_ =	shalt  }
.Lfunc_end2:
_tile_overlayer_lowered:
.L_overlay_start_2:
0x5a: {  	(tag) =	ssettag $0x2  }
0x5b: {  	s0 =	rddreg [dreg:$0x0];
	s2 =	stileid.u32  }
0x5c: {  	s1 =	rddreg [dreg:$0x1];
	p0 =	sne.s32 s2, $0x0  }
0x5d: {  	s3 =	rddreg [dreg:$0x2];
	[bflag:$0x3] =	sbarrier.arrive $0xFFFF;
	s2 =	simm.s32 @!p0 $0x1C01  }
0x5e: {  	[timem:s3], [sflag:s2] =	dma.local @!p0 [hbm:s0], s1  }
0x5f: {  	s0 =	simm.s32 @!p0 $0x1  }
0x60: {  	_ =	swait.ge @!p0 [sflag:s0], s1  }
0x61: {  	s1 =	ssub.s32 @!p0 $0x0, s1;
	[sflag:s0] =	ssyncset.done @!p0 $0x0  }
0x62: {  	[sflag:s0] =	ssyncadd.s32 @!p0 s1  }
0x63: {  	[bflag:$0x3] =	sbarrier.arrive $0xFFFF  }
0x64: {  	_ =	shalt  }

</sc_bundles>
